<compile_context>
chip_gen: v7x
topology: tpu7x:2x2x1
jax: 0.10.2.dev20260603
libtpu: 0.0.44.dev20260713+nightly
codegen_flags: <defaults>
</compile_context>

<pallas_src>
import jax
import jax.numpy as jnp
from jax import lax
from jax.experimental import pallas as pl
from jax.experimental.pallas import tpu as pltpu
from jax.experimental.pallas import tpu_sc as plsc

N_CORES = 2
N_SUBCORES = 16
NW = N_CORES * N_SUBCORES
BATCH = 16384
D_MODEL = 128
BPW = BATCH // NW
CHUNK = 128
NCH = BPW // CHUNK
NTOT = 2 * NCH
NBUF = 6

REL_PAD = 512
REL_BLK = 2048


def _ent_body(qe_hbm, oe_hbm, ent_hbm, out_qe, out_oe,
              idx_v, rows_v, gsem, ssem, isem):
    wid = lax.axis_index("s") * N_CORES + lax.axis_index("c")
    base = wid * BPW
    idx_srcs = (qe_hbm, oe_hbm)
    outs = (out_qe, out_oe)

    icps = [pltpu.async_copy(
        idx_srcs[t // NCH].at[pl.ds(base + (t % NCH) * CHUNK, CHUNK)],
        idx_v.at[t], isem) for t in range(NTOT)]
    idx_ready = [False] * NTOT

    def gather(t, slot):
        if not idx_ready[t]:
            icps[t].wait()
            idx_ready[t] = True
        return pltpu.async_copy(
            ent_hbm.at[idx_v.at[t]],
            rows_v.at[pl.ds(slot * CHUNK, CHUNK)], gsem)

    NU = NTOT // 2

    def ugather(u):
        return (gather(2 * u, (u % 3) * 2), gather(2 * u + 1, (u % 3) * 2 + 1))

    def uscatter(u):
        p, j = divmod(u, NCH // 2)
        return pltpu.async_copy(
            rows_v.at[pl.ds((u % 3) * 2 * CHUNK, 2 * CHUNK)],
            outs[p].at[pl.ds(base + j * 2 * CHUNK, 2 * CHUNK)], ssem)

    gcps = {u: ugather(u) for u in range(2)}
    scps = {}
    drained = set()
    for u in range(NU):
        for cp in gcps[u]:
            cp.wait()
        scps[u] = uscatter(u)
        nxt = u + 2
        if nxt < NU:
            if u >= 1:
                scps[u - 1].wait()
                drained.add(u - 1)
            gcps[nxt] = ugather(nxt)
    for u in range(NU):
        if u not in drained:
            scps[u].wait()


def _rel_body(idx_ref, rel_cat_ref, out_ref):
    idx_col = jnp.transpose(idx_ref[0], (1, 0))
    ks = lax.broadcasted_iota(jnp.int32, (REL_BLK, REL_PAD), 1)
    onehot = (idx_col == ks).astype(jnp.float32)
    cat = jnp.dot(onehot, rel_cat_ref[...],
                  preferred_element_type=jnp.float32)
    out_ref[...] = cat[:, :D_MODEL] + cat[:, D_MODEL:]


@jax.jit
def kernel(query_entities, query_relations, obj_entities, ent_table, rel_table):
    out = jax.ShapeDtypeStruct((BATCH, D_MODEL), jnp.float32)

    mesh = plsc.VectorSubcoreMesh(core_axis_name="c", subcore_axis_name="s")
    ent_call = pl.kernel(
        _ent_body,
        out_type=(out, out),
        mesh=mesh,
        scratch_types=[
            pltpu.VMEM((NTOT, CHUNK), jnp.int32),
            pltpu.VMEM((NBUF * CHUNK, D_MODEL), jnp.float32),
            pltpu.SemaphoreType.DMA,
            pltpu.SemaphoreType.DMA,
            pltpu.SemaphoreType.DMA,
        ],
    )
    out_qe, out_oe = ent_call(query_entities.astype(jnp.int32),
                              obj_entities.astype(jnp.int32),
                              ent_table)

    rel_pad = jnp.pad(rel_table, ((0, REL_PAD - rel_table.shape[0]), (0, 0)))
    rel_bits = lax.bitcast_convert_type(rel_pad, jnp.uint32)
    rel_hi = lax.bitcast_convert_type(
        rel_bits & jnp.uint32(0xFFFF0000), jnp.float32)
    rel_cat = jnp.concatenate([rel_hi, rel_pad - rel_hi], axis=1)
    out_qr = pl.pallas_call(
        _rel_body,
        grid=(BATCH // REL_BLK,),
        in_specs=[
            pl.BlockSpec((1, 1, REL_BLK), lambda i: (i, 0, 0)),
            pl.BlockSpec((REL_PAD, 2 * D_MODEL), lambda i: (0, 0)),
        ],
        out_specs=pl.BlockSpec((REL_BLK, D_MODEL), lambda i: (i, 0)),
        out_shape=out,
    )(query_relations.astype(jnp.int32).reshape(BATCH // REL_BLK, 1, REL_BLK),
      rel_cat)

    return (out_qe, out_qr, out_oe)

# --- scband reference (transcript-rebuilt; emitter-appended) ---
"""Pipeline reference for scband-dis-mult-11879879541064 (READ-ONLY COPY).

The authoritative reference and input builder live on the scoring server;
editing this copy changes nothing except your own understanding.
"""

import jax, jax.numpy as jnp
import numpy as np

N_ENT = 100000
N_REL = 500
D_MODEL = 128
BATCH = 16384

def setup_inputs(seed: int = 0) -> dict:
    key = jax.random.key(seed)
    k1, k2, k3, k4, k5 = jax.random.split(key, 5)
    query_entities = jax.random.randint(k1, (BATCH,), 0, N_ENT)
    query_relations = jax.random.randint(k2, (BATCH,), 0, N_REL)
    obj_entities = jax.random.randint(k3, (BATCH,), 0, N_ENT)
    ent_table = jax.random.normal(k4, (N_ENT, D_MODEL), dtype=jnp.float32) * 0.02
    rel_table = jax.random.normal(k5, (N_REL, D_MODEL), dtype=jnp.float32) * 0.02
    return {
        "query_entities": query_entities,
        "query_relations": query_relations,
        "obj_entities": obj_entities,
        "ent_table": ent_table,
        "rel_table": rel_table,
    }

def reference(query_entities, query_relations, obj_entities, ent_table, rel_table):
    # Faithful translation of DisMult.forward: three embedding lookups
    # (encoder.get_rel_embedding / get_ent_embedding are plain table gathers).
    query_rel_embeds = jnp.take(rel_table, query_relations, axis=0)
    query_ent_embeds = jnp.take(ent_table, query_entities, axis=0)
    obj_embeds = jnp.take(ent_table, obj_entities, axis=0)
    return (query_ent_embeds, query_rel_embeds, obj_embeds)

if __name__ == "__main__":
    import jax
    _d = setup_inputs()
    print(jax.jit(kernel)(*tuple(_d.values())))

</pallas_src>

<mosaic_0001>
#map = affine_map<(d0, d1) -> (0)>
#map1 = affine_map<(d0, d1) -> (0, 0)>
module attributes {stable_mosaic.version = 14 : i64} {
  func.func @_ent_body(%arg0: i32, %arg1: i32, %arg2: memref<16384xi32, #tpu.memory_space<hbm>>, %arg3: memref<16384xi32, #tpu.memory_space<hbm>>, %arg4: memref<100000x128xf32, #tpu.memory_space<hbm>>, %arg5: memref<16384x128xf32, #tpu.memory_space<hbm>>, %arg6: memref<16384x128xf32, #tpu.memory_space<hbm>>, %arg7: memref<8x128xi32, #tpu.memory_space<vmem>>, %arg8: memref<768x128xf32, #tpu.memory_space<vmem>>, %arg9: memref<!tpu.dma_semaphore, #tpu.memory_space<semaphore_mem>>, %arg10: memref<!tpu.dma_semaphore, #tpu.memory_space<semaphore_mem>>, %arg11: memref<!tpu.dma_semaphore, #tpu.memory_space<semaphore_mem>>) attributes {dimension_semantics = [#tpu.dimension_semantics<core_parallel>, #tpu.dimension_semantics<subcore_parallel>], iteration_bounds = array<i64: 2, 16>, scalar_prefetch = 0 : i64, scratch_operands = 5 : i64, tpu.core_type = #tpu.core_type<sc_vector_subcore>, window_params = [{transform_indices = #map}, {transform_indices = #map}, {transform_indices = #map1}, {transform_indices = #map1}, {transform_indices = #map1}]} {
    %mul3A = arith.constant 2 : i32
    %mul3A_0 = arith.muli %arg1, %mul3A : i32
    %add3A = arith.addi %mul3A_0, %arg0 : i32
    %mul3A_1 = arith.constant 512 : i32
    %mul3A_2 = arith.muli %add3A, %mul3A_1 : i32
    %add3A_3 = arith.constant 0 : i32
    %add3A_4 = arith.addi %mul3A_2, %add3A_3 : i32
    %dma_start3A = arith.constant 0 : i32
    %dma_start3A_5 = arith.constant 0 : i32
    %dma_start3A_6 = tpu.memref_slice %arg7[%dma_start3A, %dma_start3A_5] : memref<8x128xi32, #tpu.memory_space<vmem>> -> memref<1x128xi32, #tpu.memory_space<vmem>>
    %dma_start3A_7 = tpu.memref_squeeze %dma_start3A_6 : memref<1x128xi32, #tpu.memory_space<vmem>> -> memref<128xi32, #tpu.memory_space<vmem>>
    %dma_start3A_8 = tpu.memref_slice %arg2[%add3A_4] : memref<16384xi32, #tpu.memory_space<hbm>> -> memref<128xi32, #tpu.memory_space<hbm>>
    %dma_start3A_9 = arith.constant 0 : i32
    %dma_start3A_10 = tpu.memref_slice %arg7[%dma_start3A, %dma_start3A_9] : memref<8x128xi32, #tpu.memory_space<vmem>> -> memref<1x128xi32, #tpu.memory_space<vmem>>
    %dma_start3A_11 = tpu.memref_squeeze %dma_start3A_10 : memref<1x128xi32, #tpu.memory_space<vmem>> -> memref<128xi32, #tpu.memory_space<vmem>>
    %dma_start3A_12 = tpu.memref_slice %arg2[%add3A_4] : memref<16384xi32, #tpu.memory_space<hbm>> -> memref<128xi32, #tpu.memory_space<hbm>>
    tpu.enqueue_dma source(%dma_start3A_12 : memref<128xi32, #tpu.memory_space<hbm>>) target(%dma_start3A_11 : memref<128xi32, #tpu.memory_space<vmem>>) target_semaphore(%arg11 : memref<!tpu.dma_semaphore, #tpu.memory_space<semaphore_mem>>)
    %add3A_13 = arith.constant 128 : i32
    %add3A_14 = arith.addi %mul3A_2, %add3A_13 : i32
    %dma_start3A_15 = arith.constant 1 : i32
    %dma_start3A_16 = arith.constant 0 : i32
    %dma_start3A_17 = tpu.memref_slice %arg7[%dma_start3A_15, %dma_start3A_16] : memref<8x128xi32, #tpu.memory_space<vmem>> -> memref<1x128xi32, #tpu.memory_space<vmem>>
    %dma_start3A_18 = tpu.memref_squeeze %dma_start3A_17 : memref<1x128xi32, #tpu.memory_space<vmem>> -> memref<128xi32, #tpu.memory_space<vmem>>
    %dma_start3A_19 = tpu.memref_slice %arg2[%add3A_14] : memref<16384xi32, #tpu.memory_space<hbm>> -> memref<128xi32, #tpu.memory_space<hbm>>
    %dma_start3A_20 = arith.constant 0 : i32
    %dma_start3A_21 = tpu.memref_slice %arg7[%dma_start3A_15, %dma_start3A_20] : memref<8x128xi32, #tpu.memory_space<vmem>> -> memref<1x128xi32, #tpu.memory_space<vmem>>
    %dma_start3A_22 = tpu.memref_squeeze %dma_start3A_21 : memref<1x128xi32, #tpu.memory_space<vmem>> -> memref<128xi32, #tpu.memory_space<vmem>>
    %dma_start3A_23 = tpu.memref_slice %arg2[%add3A_14] : memref<16384xi32, #tpu.memory_space<hbm>> -> memref<128xi32, #tpu.memory_space<hbm>>
    tpu.enqueue_dma source(%dma_start3A_23 : memref<128xi32, #tpu.memory_space<hbm>>) target(%dma_start3A_22 : memref<128xi32, #tpu.memory_space<vmem>>) target_semaphore(%arg11 : memref<!tpu.dma_semaphore, #tpu.memory_space<semaphore_mem>>)
    %add3A_24 = arith.constant 256 : i32
    %add3A_25 = arith.addi %mul3A_2, %add3A_24 : i32
    %dma_start3A_26 = arith.constant 2 : i32
    %dma_start3A_27 = arith.constant 0 : i32
    %dma_start3A_28 = tpu.memref_slice %arg7[%dma_start3A_26, %dma_start3A_27] : memref<8x128xi32, #tpu.memory_space<vmem>> -> memref<1x128xi32, #tpu.memory_space<vmem>>
    %dma_start3A_29 = tpu.memref_squeeze %dma_start3A_28 : memref<1x128xi32, #tpu.memory_space<vmem>> -> memref<128xi32, #tpu.memory_space<vmem>>
    %dma_start3A_30 = tpu.memref_slice %arg2[%add3A_25] : memref<16384xi32, #tpu.memory_space<hbm>> -> memref<128xi32, #tpu.memory_space<hbm>>
    %dma_start3A_31 = arith.constant 0 : i32
    %dma_start3A_32 = tpu.memref_slice %arg7[%dma_start3A_26, %dma_start3A_31] : memref<8x128xi32, #tpu.memory_space<vmem>> -> memref<1x128xi32, #tpu.memory_space<vmem>>
    %dma_start3A_33 = tpu.memref_squeeze %dma_start3A_32 : memref<1x128xi32, #tpu.memory_space<vmem>> -> memref<128xi32, #tpu.memory_space<vmem>>
    %dma_start3A_34 = tpu.memref_slice %arg2[%add3A_25] : memref<16384xi32, #tpu.memory_space<hbm>> -> memref<128xi32, #tpu.memory_space<hbm>>
    tpu.enqueue_dma source(%dma_start3A_34 : memref<128xi32, #tpu.memory_space<hbm>>) target(%dma_start3A_33 : memref<128xi32, #tpu.memory_space<vmem>>) target_semaphore(%arg11 : memref<!tpu.dma_semaphore, #tpu.memory_space<semaphore_mem>>)
    %add3A_35 = arith.constant 384 : i32
    %add3A_36 = arith.addi %mul3A_2, %add3A_35 : i32
    %dma_start3A_37 = arith.constant 3 : i32
    %dma_start3A_38 = arith.constant 0 : i32
    %dma_start3A_39 = tpu.memref_slice %arg7[%dma_start3A_37, %dma_start3A_38] : memref<8x128xi32, #tpu.memory_space<vmem>> -> memref<1x128xi32, #tpu.memory_space<vmem>>
    %dma_start3A_40 = tpu.memref_squeeze %dma_start3A_39 : memref<1x128xi32, #tpu.memory_space<vmem>> -> memref<128xi32, #tpu.memory_space<vmem>>
    %dma_start3A_41 = tpu.memref_slice %arg2[%add3A_36] : memref<16384xi32, #tpu.memory_space<hbm>> -> memref<128xi32, #tpu.memory_space<hbm>>
    %dma_start3A_42 = arith.constant 0 : i32
    %dma_start3A_43 = tpu.memref_slice %arg7[%dma_start3A_37, %dma_start3A_42] : memref<8x128xi32, #tpu.memory_space<vmem>> -> memref<1x128xi32, #tpu.memory_space<vmem>>
    %dma_start3A_44 = tpu.memref_squeeze %dma_start3A_43 : memref<1x128xi32, #tpu.memory_space<vmem>> -> memref<128xi32, #tpu.memory_space<vmem>>
    %dma_start3A_45 = tpu.memref_slice %arg2[%add3A_36] : memref<16384xi32, #tpu.memory_space<hbm>> -> memref<128xi32, #tpu.memory_space<hbm>>
    tpu.enqueue_dma source(%dma_start3A_45 : memref<128xi32, #tpu.memory_space<hbm>>) target(%dma_start3A_44 : memref<128xi32, #tpu.memory_space<vmem>>) target_semaphore(%arg11 : memref<!tpu.dma_semaphore, #tpu.memory_space<semaphore_mem>>)
    %add3A_46 = arith.constant 0 : i32
    %add3A_47 = arith.addi %mul3A_2, %add3A_46 : i32
    %dma_start3A_48 = arith.constant 4 : i32
    %dma_start3A_49 = arith.constant 0 : i32
    %dma_start3A_50 = tpu.memref_slice %arg7[%dma_start3A_48, %dma_start3A_49] : memref<8x128xi32, #tpu.memory_space<vmem>> -> memref<1x128xi32, #tpu.memory_space<vmem>>
    %dma_start3A_51 = tpu.memref_squeeze %dma_start3A_50 : memref<1x128xi32, #tpu.memory_space<vmem>> -> memref<128xi32, #tpu.memory_space<vmem>>
    %dma_start3A_52 = tpu.memref_slice %arg3[%add3A_47] : memref<16384xi32, #tpu.memory_space<hbm>> -> memref<128xi32, #tpu.memory_space<hbm>>
    %dma_start3A_53 = arith.constant 0 : i32
    %dma_start3A_54 = tpu.memref_slice %arg7[%dma_start3A_48, %dma_start3A_53] : memref<8x128xi32, #tpu.memory_space<vmem>> -> memref<1x128xi32, #tpu.memory_space<vmem>>
    %dma_start3A_55 = tpu.memref_squeeze %dma_start3A_54 : memref<1x128xi32, #tpu.memory_space<vmem>> -> memref<128xi32, #tpu.memory_space<vmem>>
    %dma_start3A_56 = tpu.memref_slice %arg3[%add3A_47] : memref<16384xi32, #tpu.memory_space<hbm>> -> memref<128xi32, #tpu.memory_space<hbm>>
    tpu.enqueue_dma source(%dma_start3A_56 : memref<128xi32, #tpu.memory_space<hbm>>) target(%dma_start3A_55 : memref<128xi32, #tpu.memory_space<vmem>>) target_semaphore(%arg11 : memref<!tpu.dma_semaphore, #tpu.memory_space<semaphore_mem>>)
    %add3A_57 = arith.constant 128 : i32
    %add3A_58 = arith.addi %mul3A_2, %add3A_57 : i32
    %dma_start3A_59 = arith.constant 5 : i32
    %dma_start3A_60 = arith.constant 0 : i32
    %dma_start3A_61 = tpu.memref_slice %arg7[%dma_start3A_59, %dma_start3A_60] : memref<8x128xi32, #tpu.memory_space<vmem>> -> memref<1x128xi32, #tpu.memory_space<vmem>>
    %dma_start3A_62 = tpu.memref_squeeze %dma_start3A_61 : memref<1x128xi32, #tpu.memory_space<vmem>> -> memref<128xi32, #tpu.memory_space<vmem>>
    %dma_start3A_63 = tpu.memref_slice %arg3[%add3A_58] : memref<16384xi32, #tpu.memory_space<hbm>> -> memref<128xi32, #tpu.memory_space<hbm>>
    %dma_start3A_64 = arith.constant 0 : i32
    %dma_start3A_65 = tpu.memref_slice %arg7[%dma_start3A_59, %dma_start3A_64] : memref<8x128xi32, #tpu.memory_space<vmem>> -> memref<1x128xi32, #tpu.memory_space<vmem>>
    %dma_start3A_66 = tpu.memref_squeeze %dma_start3A_65 : memref<1x128xi32, #tpu.memory_space<vmem>> -> memref<128xi32, #tpu.memory_space<vmem>>
    %dma_start3A_67 = tpu.memref_slice %arg3[%add3A_58] : memref<16384xi32, #tpu.memory_space<hbm>> -> memref<128xi32, #tpu.memory_space<hbm>>
    tpu.enqueue_dma source(%dma_start3A_67 : memref<128xi32, #tpu.memory_space<hbm>>) target(%dma_start3A_66 : memref<128xi32, #tpu.memory_space<vmem>>) target_semaphore(%arg11 : memref<!tpu.dma_semaphore, #tpu.memory_space<semaphore_mem>>)
    %add3A_68 = arith.constant 256 : i32
    %add3A_69 = arith.addi %mul3A_2, %add3A_68 : i32
    %dma_start3A_70 = arith.constant 6 : i32
    %dma_start3A_71 = arith.constant 0 : i32
    %dma_start3A_72 = tpu.memref_slice %arg7[%dma_start3A_70, %dma_start3A_71] : memref<8x128xi32, #tpu.memory_space<vmem>> -> memref<1x128xi32, #tpu.memory_space<vmem>>
    %dma_start3A_73 = tpu.memref_squeeze %dma_start3A_72 : memref<1x128xi32, #tpu.memory_space<vmem>> -> memref<128xi32, #tpu.memory_space<vmem>>
    %dma_start3A_74 = tpu.memref_slice %arg3[%add3A_69] : memref<16384xi32, #tpu.memory_space<hbm>> -> memref<128xi32, #tpu.memory_space<hbm>>
    %dma_start3A_75 = arith.constant 0 : i32
    %dma_start3A_76 = tpu.memref_slice %arg7[%dma_start3A_70, %dma_start3A_75] : memref<8x128xi32, #tpu.memory_space<vmem>> -> memref<1x128xi32, #tpu.memory_space<vmem>>
    %dma_start3A_77 = tpu.memref_squeeze %dma_start3A_76 : memref<1x128xi32, #tpu.memory_space<vmem>> -> memref<128xi32, #tpu.memory_space<vmem>>
    %dma_start3A_78 = tpu.memref_slice %arg3[%add3A_69] : memref<16384xi32, #tpu.memory_space<hbm>> -> memref<128xi32, #tpu.memory_space<hbm>>
    tpu.enqueue_dma source(%dma_start3A_78 : memref<128xi32, #tpu.memory_space<hbm>>) target(%dma_start3A_77 : memref<128xi32, #tpu.memory_space<vmem>>) target_semaphore(%arg11 : memref<!tpu.dma_semaphore, #tpu.memory_space<semaphore_mem>>)
    %add3A_79 = arith.constant 384 : i32
    %add3A_80 = arith.addi %mul3A_2, %add3A_79 : i32
    %dma_start3A_81 = arith.constant 7 : i32
    %dma_start3A_82 = arith.constant 0 : i32
    %dma_start3A_83 = tpu.memref_slice %arg7[%dma_start3A_81, %dma_start3A_82] : memref<8x128xi32, #tpu.memory_space<vmem>> -> memref<1x128xi32, #tpu.memory_space<vmem>>
    %dma_start3A_84 = tpu.memref_squeeze %dma_start3A_83 : memref<1x128xi32, #tpu.memory_space<vmem>> -> memref<128xi32, #tpu.memory_space<vmem>>
    %dma_start3A_85 = tpu.memref_slice %arg3[%add3A_80] : memref<16384xi32, #tpu.memory_space<hbm>> -> memref<128xi32, #tpu.memory_space<hbm>>
    %dma_start3A_86 = arith.constant 0 : i32
    %dma_start3A_87 = tpu.memref_slice %arg7[%dma_start3A_81, %dma_start3A_86] : memref<8x128xi32, #tpu.memory_space<vmem>> -> memref<1x128xi32, #tpu.memory_space<vmem>>
    %dma_start3A_88 = tpu.memref_squeeze %dma_start3A_87 : memref<1x128xi32, #tpu.memory_space<vmem>> -> memref<128xi32, #tpu.memory_space<vmem>>
    %dma_start3A_89 = tpu.memref_slice %arg3[%add3A_80] : memref<16384xi32, #tpu.memory_space<hbm>> -> memref<128xi32, #tpu.memory_space<hbm>>
    tpu.enqueue_dma source(%dma_start3A_89 : memref<128xi32, #tpu.memory_space<hbm>>) target(%dma_start3A_88 : memref<128xi32, #tpu.memory_space<vmem>>) target_semaphore(%arg11 : memref<!tpu.dma_semaphore, #tpu.memory_space<semaphore_mem>>)
    %dma_wait3A = arith.constant 0 : i32
    %dma_wait3A_90 = arith.constant 0 : i32
    %dma_wait3A_91 = tpu.memref_slice %arg7[%dma_wait3A, %dma_wait3A_90] : memref<8x128xi32, #tpu.memory_space<vmem>> -> memref<1x128xi32, #tpu.memory_space<vmem>>
    %dma_wait3A_92 = tpu.memref_squeeze %dma_wait3A_91 : memref<1x128xi32, #tpu.memory_space<vmem>> -> memref<128xi32, #tpu.memory_space<vmem>>
    %dma_wait3A_93 = tpu.memref_slice %arg2[%add3A_4] : memref<16384xi32, #tpu.memory_space<hbm>> -> memref<128xi32, #tpu.memory_space<hbm>>
    %dma_wait3A_94 = arith.constant 0 : i32
    %dma_wait3A_95 = tpu.memref_slice %arg7[%dma_wait3A, %dma_wait3A_94] : memref<8x128xi32, #tpu.memory_space<vmem>> -> memref<1x128xi32, #tpu.memory_space<vmem>>
    %dma_wait3A_96 = tpu.memref_squeeze %dma_wait3A_95 : memref<1x128xi32, #tpu.memory_space<vmem>> -> memref<128xi32, #tpu.memory_space<vmem>>
    %dma_wait3A_97 = tpu.memref_slice %arg2[%add3A_4] : memref<16384xi32, #tpu.memory_space<hbm>> -> memref<128xi32, #tpu.memory_space<hbm>>
    tpu.wait_dma2 semaphore(%arg11 : memref<!tpu.dma_semaphore, #tpu.memory_space<semaphore_mem>>) src(%dma_wait3A_97 : memref<128xi32, #tpu.memory_space<hbm>>) dst(%dma_wait3A_96 : memref<128xi32, #tpu.memory_space<vmem>>)
    %dma_start3A_98 = arith.constant 0 : i32
    %dma_start3A_99 = arith.constant 0 : i32
    %dma_start3A_100 = arith.constant 0 : i32
    %dma_start3A_101 = tpu.memref_slice %arg8[%dma_start3A_99, %dma_start3A_100] : memref<768x128xf32, #tpu.memory_space<vmem>> -> memref<128x128xf32, #tpu.memory_space<vmem>>
    %dma_start3A_102 = arith.constant 0 : i32
    %dma_start3A_103 = tpu.memref_slice %arg7[%dma_start3A_98, %dma_start3A_102] : memref<8x128xi32, #tpu.memory_space<vmem>> -> memref<1x128xi32, #tpu.memory_space<vmem>>
    %dma_start3A_104 = tpu.memref_squeeze %dma_start3A_103 : memref<1x128xi32, #tpu.memory_space<vmem>> -> memref<128xi32, #tpu.memory_space<vmem>>
    %dma_start3A_105 = arith.constant 0 : i32
    %dma_start3A_106 = arith.constant 0 : i32
    %dma_start3A_107 = tpu.memref_slice %arg4[%dma_start3A_105, %dma_start3A_106] : memref<100000x128xf32, #tpu.memory_space<hbm>> -> memref<100000x128xf32, #tpu.memory_space<hbm>>
    tpu.enqueue_indirect_dma source(%dma_start3A_107 : memref<100000x128xf32, #tpu.memory_space<hbm>>) target(%dma_start3A_101 : memref<128x128xf32, #tpu.memory_space<vmem>>) offsets(%dma_start3A_104 : memref<128xi32, #tpu.memory_space<vmem>>) semaphore(%arg9 : memref<!tpu.dma_semaphore, #tpu.memory_space<semaphore_mem>>)
    %dma_wait3A_108 = arith.constant 1 : i32
    %dma_wait3A_109 = arith.constant 0 : i32
    %dma_wait3A_110 = tpu.memref_slice %arg7[%dma_wait3A_108, %dma_wait3A_109] : memref<8x128xi32, #tpu.memory_space<vmem>> -> memref<1x128xi32, #tpu.memory_space<vmem>>
    %dma_wait3A_111 = tpu.memref_squeeze %dma_wait3A_110 : memref<1x128xi32, #tpu.memory_space<vmem>> -> memref<128xi32, #tpu.memory_space<vmem>>
    %dma_wait3A_112 = tpu.memref_slice %arg2[%add3A_14] : memref<16384xi32, #tpu.memory_space<hbm>> -> memref<128xi32, #tpu.memory_space<hbm>>
    %dma_wait3A_113 = arith.constant 0 : i32
    %dma_wait3A_114 = tpu.memref_slice %arg7[%dma_wait3A_108, %dma_wait3A_113] : memref<8x128xi32, #tpu.memory_space<vmem>> -> memref<1x128xi32, #tpu.memory_space<vmem>>
    %dma_wait3A_115 = tpu.memref_squeeze %dma_wait3A_114 : memref<1x128xi32, #tpu.memory_space<vmem>> -> memref<128xi32, #tpu.memory_space<vmem>>
    %dma_wait3A_116 = tpu.memref_slice %arg2[%add3A_14] : memref<16384xi32, #tpu.memory_space<hbm>> -> memref<128xi32, #tpu.memory_space<hbm>>
    tpu.wait_dma2 semaphore(%arg11 : memref<!tpu.dma_semaphore, #tpu.memory_space<semaphore_mem>>) src(%dma_wait3A_116 : memref<128xi32, #tpu.memory_space<hbm>>) dst(%dma_wait3A_115 : memref<128xi32, #tpu.memory_space<vmem>>)
    %dma_start3A_117 = arith.constant 1 : i32
    %dma_start3A_118 = arith.constant 128 : i32
    %dma_start3A_119 = arith.constant 0 : i32
    %dma_start3A_120 = tpu.memref_slice %arg8[%dma_start3A_118, %dma_start3A_119] : memref<768x128xf32, #tpu.memory_space<vmem>> -> memref<128x128xf32, #tpu.memory_space<vmem>>
    %dma_start3A_121 = arith.constant 0 : i32
    %dma_start3A_122 = tpu.memref_slice %arg7[%dma_start3A_117, %dma_start3A_121] : memref<8x128xi32, #tpu.memory_space<vmem>> -> memref<1x128xi32, #tpu.memory_space<vmem>>
    %dma_start3A_123 = tpu.memref_squeeze %dma_start3A_122 : memref<1x128xi32, #tpu.memory_space<vmem>> -> memref<128xi32, #tpu.memory_space<vmem>>
    %dma_start3A_124 = arith.constant 0 : i32
    %dma_start3A_125 = arith.constant 0 : i32
    %dma_start3A_126 = tpu.memref_slice %arg4[%dma_start3A_124, %dma_start3A_125] : memref<100000x128xf32, #tpu.memory_space<hbm>> -> memref<100000x128xf32, #tpu.memory_space<hbm>>
    tpu.enqueue_indirect_dma source(%dma_start3A_126 : memref<100000x128xf32, #tpu.memory_space<hbm>>) target(%dma_start3A_120 : memref<128x128xf32, #tpu.memory_space<vmem>>) offsets(%dma_start3A_123 : memref<128xi32, #tpu.memory_space<vmem>>) semaphore(%arg9 : memref<!tpu.dma_semaphore, #tpu.memory_space<semaphore_mem>>)
    %dma_wait3A_127 = arith.constant 2 : i32
    %dma_wait3A_128 = arith.constant 0 : i32
    %dma_wait3A_129 = tpu.memref_slice %arg7[%dma_wait3A_127, %dma_wait3A_128] : memref<8x128xi32, #tpu.memory_space<vmem>> -> memref<1x128xi32, #tpu.memory_space<vmem>>
    %dma_wait3A_130 = tpu.memref_squeeze %dma_wait3A_129 : memref<1x128xi32, #tpu.memory_space<vmem>> -> memref<128xi32, #tpu.memory_space<vmem>>
    %dma_wait3A_131 = tpu.memref_slice %arg2[%add3A_25] : memref<16384xi32, #tpu.memory_space<hbm>> -> memref<128xi32, #tpu.memory_space<hbm>>
    %dma_wait3A_132 = arith.constant 0 : i32
    %dma_wait3A_133 = tpu.memref_slice %arg7[%dma_wait3A_127, %dma_wait3A_132] : memref<8x128xi32, #tpu.memory_space<vmem>> -> memref<1x128xi32, #tpu.memory_space<vmem>>
    %dma_wait3A_134 = tpu.memref_squeeze %dma_wait3A_133 : memref<1x128xi32, #tpu.memory_space<vmem>> -> memref<128xi32, #tpu.memory_space<vmem>>
    %dma_wait3A_135 = tpu.memref_slice %arg2[%add3A_25] : memref<16384xi32, #tpu.memory_space<hbm>> -> memref<128xi32, #tpu.memory_space<hbm>>
    tpu.wait_dma2 semaphore(%arg11 : memref<!tpu.dma_semaphore, #tpu.memory_space<semaphore_mem>>) src(%dma_wait3A_135 : memref<128xi32, #tpu.memory_space<hbm>>) dst(%dma_wait3A_134 : memref<128xi32, #tpu.memory_space<vmem>>)
    %dma_start3A_136 = arith.constant 2 : i32
    %dma_start3A_137 = arith.constant 256 : i32
    %dma_start3A_138 = arith.constant 0 : i32
    %dma_start3A_139 = tpu.memref_slice %arg8[%dma_start3A_137, %dma_start3A_138] : memref<768x128xf32, #tpu.memory_space<vmem>> -> memref<128x128xf32, #tpu.memory_space<vmem>>
    %dma_start3A_140 = arith.constant 0 : i32
    %dma_start3A_141 = tpu.memref_slice %arg7[%dma_start3A_136, %dma_start3A_140] : memref<8x128xi32, #tpu.memory_space<vmem>> -> memref<1x128xi32, #tpu.memory_space<vmem>>
    %dma_start3A_142 = tpu.memref_squeeze %dma_start3A_141 : memref<1x128xi32, #tpu.memory_space<vmem>> -> memref<128xi32, #tpu.memory_space<vmem>>
    %dma_start3A_143 = arith.constant 0 : i32
    %dma_start3A_144 = arith.constant 0 : i32
    %dma_start3A_145 = tpu.memref_slice %arg4[%dma_start3A_143, %dma_start3A_144] : memref<100000x128xf32, #tpu.memory_space<hbm>> -> memref<100000x128xf32, #tpu.memory_space<hbm>>
    tpu.enqueue_indirect_dma source(%dma_start3A_145 : memref<100000x128xf32, #tpu.memory_space<hbm>>) target(%dma_start3A_139 : memref<128x128xf32, #tpu.memory_space<vmem>>) offsets(%dma_start3A_142 : memref<128xi32, #tpu.memory_space<vmem>>) semaphore(%arg9 : memref<!tpu.dma_semaphore, #tpu.memory_space<semaphore_mem>>)
    %dma_wait3A_146 = arith.constant 3 : i32
    %dma_wait3A_147 = arith.constant 0 : i32
    %dma_wait3A_148 = tpu.memref_slice %arg7[%dma_wait3A_146, %dma_wait3A_147] : memref<8x128xi32, #tpu.memory_space<vmem>> -> memref<1x128xi32, #tpu.memory_space<vmem>>
    %dma_wait3A_149 = tpu.memref_squeeze %dma_wait3A_148 : memref<1x128xi32, #tpu.memory_space<vmem>> -> memref<128xi32, #tpu.memory_space<vmem>>
    %dma_wait3A_150 = tpu.memref_slice %arg2[%add3A_36] : memref<16384xi32, #tpu.memory_space<hbm>> -> memref<128xi32, #tpu.memory_space<hbm>>
    %dma_wait3A_151 = arith.constant 0 : i32
    %dma_wait3A_152 = tpu.memref_slice %arg7[%dma_wait3A_146, %dma_wait3A_151] : memref<8x128xi32, #tpu.memory_space<vmem>> -> memref<1x128xi32, #tpu.memory_space<vmem>>
    %dma_wait3A_153 = tpu.memref_squeeze %dma_wait3A_152 : memref<1x128xi32, #tpu.memory_space<vmem>> -> memref<128xi32, #tpu.memory_space<vmem>>
    %dma_wait3A_154 = tpu.memref_slice %arg2[%add3A_36] : memref<16384xi32, #tpu.memory_space<hbm>> -> memref<128xi32, #tpu.memory_space<hbm>>
    tpu.wait_dma2 semaphore(%arg11 : memref<!tpu.dma_semaphore, #tpu.memory_space<semaphore_mem>>) src(%dma_wait3A_154 : memref<128xi32, #tpu.memory_space<hbm>>) dst(%dma_wait3A_153 : memref<128xi32, #tpu.memory_space<vmem>>)
    %dma_start3A_155 = arith.constant 3 : i32
    %dma_start3A_156 = arith.constant 384 : i32
    %dma_start3A_157 = arith.constant 0 : i32
    %dma_start3A_158 = tpu.memref_slice %arg8[%dma_start3A_156, %dma_start3A_157] : memref<768x128xf32, #tpu.memory_space<vmem>> -> memref<128x128xf32, #tpu.memory_space<vmem>>
    %dma_start3A_159 = arith.constant 0 : i32
    %dma_start3A_160 = tpu.memref_slice %arg7[%dma_start3A_155, %dma_start3A_159] : memref<8x128xi32, #tpu.memory_space<vmem>> -> memref<1x128xi32, #tpu.memory_space<vmem>>
    %dma_start3A_161 = tpu.memref_squeeze %dma_start3A_160 : memref<1x128xi32, #tpu.memory_space<vmem>> -> memref<128xi32, #tpu.memory_space<vmem>>
    %dma_start3A_162 = arith.constant 0 : i32
    %dma_start3A_163 = arith.constant 0 : i32
    %dma_start3A_164 = tpu.memref_slice %arg4[%dma_start3A_162, %dma_start3A_163] : memref<100000x128xf32, #tpu.memory_space<hbm>> -> memref<100000x128xf32, #tpu.memory_space<hbm>>
    tpu.enqueue_indirect_dma source(%dma_start3A_164 : memref<100000x128xf32, #tpu.memory_space<hbm>>) target(%dma_start3A_158 : memref<128x128xf32, #tpu.memory_space<vmem>>) offsets(%dma_start3A_161 : memref<128xi32, #tpu.memory_space<vmem>>) semaphore(%arg9 : memref<!tpu.dma_semaphore, #tpu.memory_space<semaphore_mem>>)
    %dma_wait3A_165 = arith.constant 0 : i32
    %dma_wait3A_166 = arith.constant 0 : i32
    %dma_wait3A_167 = arith.constant 0 : i32
    %dma_wait3A_168 = tpu.memref_slice %arg8[%dma_wait3A_166, %dma_wait3A_167] : memref<768x128xf32, #tpu.memory_space<vmem>> -> memref<128x128xf32, #tpu.memory_space<vmem>>
    %dma_wait3A_169 = arith.constant 0 : i32
    %dma_wait3A_170 = tpu.memref_slice %arg7[%dma_wait3A_165, %dma_wait3A_169] : memref<8x128xi32, #tpu.memory_space<vmem>> -> memref<1x128xi32, #tpu.memory_space<vmem>>
    %dma_wait3A_171 = tpu.memref_squeeze %dma_wait3A_170 : memref<1x128xi32, #tpu.memory_space<vmem>> -> memref<128xi32, #tpu.memory_space<vmem>>
    %dma_wait3A_172 = arith.constant 0 : i32
    %dma_wait3A_173 = arith.constant 0 : i32
    %dma_wait3A_174 = tpu.memref_slice %arg4[%dma_wait3A_172, %dma_wait3A_173] : memref<100000x128xf32, #tpu.memory_space<hbm>> -> memref<100000x128xf32, #tpu.memory_space<hbm>>
    tpu.wait_indirect_dma semaphore(%arg9 : memref<!tpu.dma_semaphore, #tpu.memory_space<semaphore_mem>>) src(%dma_wait3A_174 : memref<100000x128xf32, #tpu.memory_space<hbm>>) dst(%dma_wait3A_168 : memref<128x128xf32, #tpu.memory_space<vmem>>)
    %dma_wait3A_175 = arith.constant 1 : i32
    %dma_wait3A_176 = arith.constant 128 : i32
    %dma_wait3A_177 = arith.constant 0 : i32
    %dma_wait3A_178 = tpu.memref_slice %arg8[%dma_wait3A_176, %dma_wait3A_177] : memref<768x128xf32, #tpu.memory_space<vmem>> -> memref<128x128xf32, #tpu.memory_space<vmem>>
    %dma_wait3A_179 = arith.constant 0 : i32
    %dma_wait3A_180 = tpu.memref_slice %arg7[%dma_wait3A_175, %dma_wait3A_179] : memref<8x128xi32, #tpu.memory_space<vmem>> -> memref<1x128xi32, #tpu.memory_space<vmem>>
    %dma_wait3A_181 = tpu.memref_squeeze %dma_wait3A_180 : memref<1x128xi32, #tpu.memory_space<vmem>> -> memref<128xi32, #tpu.memory_space<vmem>>
    %dma_wait3A_182 = arith.constant 0 : i32
    %dma_wait3A_183 = arith.constant 0 : i32
    %dma_wait3A_184 = tpu.memref_slice %arg4[%dma_wait3A_182, %dma_wait3A_183] : memref<100000x128xf32, #tpu.memory_space<hbm>> -> memref<100000x128xf32, #tpu.memory_space<hbm>>
    tpu.wait_indirect_dma semaphore(%arg9 : memref<!tpu.dma_semaphore, #tpu.memory_space<semaphore_mem>>) src(%dma_wait3A_184 : memref<100000x128xf32, #tpu.memory_space<hbm>>) dst(%dma_wait3A_178 : memref<128x128xf32, #tpu.memory_space<vmem>>)
    %add3A_185 = arith.constant 0 : i32
    %add3A_186 = arith.addi %mul3A_2, %add3A_185 : i32
    %dma_start3A_187 = arith.constant 0 : i32
    %dma_start3A_188 = arith.constant 0 : i32
    %dma_start3A_189 = tpu.memref_slice %arg8[%dma_start3A_187, %dma_start3A_188] : memref<768x128xf32, #tpu.memory_space<vmem>> -> memref<256x128xf32, #tpu.memory_space<vmem>>
    %dma_start3A_190 = arith.constant 0 : i32
    %dma_start3A_191 = tpu.memref_slice %arg5[%add3A_186, %dma_start3A_190] : memref<16384x128xf32, #tpu.memory_space<hbm>> -> memref<256x128xf32, #tpu.memory_space<hbm>>
    %dma_start3A_192 = arith.constant 0 : i32
    %dma_start3A_193 = tpu.memref_slice %arg5[%add3A_186, %dma_start3A_192] : memref<16384x128xf32, #tpu.memory_space<hbm>> -> memref<256x128xf32, #tpu.memory_space<hbm>>
    %dma_start3A_194 = arith.constant 0 : i32
    %dma_start3A_195 = arith.constant 0 : i32
    %dma_start3A_196 = tpu.memref_slice %arg8[%dma_start3A_194, %dma_start3A_195] : memref<768x128xf32, #tpu.memory_space<vmem>> -> memref<256x128xf32, #tpu.memory_space<vmem>>
    tpu.enqueue_dma source(%dma_start3A_196 : memref<256x128xf32, #tpu.memory_space<vmem>>) target(%dma_start3A_193 : memref<256x128xf32, #tpu.memory_space<hbm>>) target_semaphore(%arg10 : memref<!tpu.dma_semaphore, #tpu.memory_space<semaphore_mem>>)
    %dma_wait3A_197 = arith.constant 4 : i32
    %dma_wait3A_198 = arith.constant 0 : i32
    %dma_wait3A_199 = tpu.memref_slice %arg7[%dma_wait3A_197, %dma_wait3A_198] : memref<8x128xi32, #tpu.memory_space<vmem>> -> memref<1x128xi32, #tpu.memory_space<vmem>>
    %dma_wait3A_200 = tpu.memref_squeeze %dma_wait3A_199 : memref<1x128xi32, #tpu.memory_space<vmem>> -> memref<128xi32, #tpu.memory_space<vmem>>
    %dma_wait3A_201 = tpu.memref_slice %arg3[%add3A_47] : memref<16384xi32, #tpu.memory_space<hbm>> -> memref<128xi32, #tpu.memory_space<hbm>>
    %dma_wait3A_202 = arith.constant 0 : i32
    %dma_wait3A_203 = tpu.memref_slice %arg7[%dma_wait3A_197, %dma_wait3A_202] : memref<8x128xi32, #tpu.memory_space<vmem>> -> memref<1x128xi32, #tpu.memory_space<vmem>>
    %dma_wait3A_204 = tpu.memref_squeeze %dma_wait3A_203 : memref<1x128xi32, #tpu.memory_space<vmem>> -> memref<128xi32, #tpu.memory_space<vmem>>
    %dma_wait3A_205 = tpu.memref_slice %arg3[%add3A_47] : memref<16384xi32, #tpu.memory_space<hbm>> -> memref<128xi32, #tpu.memory_space<hbm>>
    tpu.wait_dma2 semaphore(%arg11 : memref<!tpu.dma_semaphore, #tpu.memory_space<semaphore_mem>>) src(%dma_wait3A_205 : memref<128xi32, #tpu.memory_space<hbm>>) dst(%dma_wait3A_204 : memref<128xi32, #tpu.memory_space<vmem>>)
    %dma_start3A_206 = arith.constant 4 : i32
    %dma_start3A_207 = arith.constant 512 : i32
    %dma_start3A_208 = arith.constant 0 : i32
    %dma_start3A_209 = tpu.memref_slice %arg8[%dma_start3A_207, %dma_start3A_208] : memref<768x128xf32, #tpu.memory_space<vmem>> -> memref<128x128xf32, #tpu.memory_space<vmem>>
    %dma_start3A_210 = arith.constant 0 : i32
    %dma_start3A_211 = tpu.memref_slice %arg7[%dma_start3A_206, %dma_start3A_210] : memref<8x128xi32, #tpu.memory_space<vmem>> -> memref<1x128xi32, #tpu.memory_space<vmem>>
    %dma_start3A_212 = tpu.memref_squeeze %dma_start3A_211 : memref<1x128xi32, #tpu.memory_space<vmem>> -> memref<128xi32, #tpu.memory_space<vmem>>
    %dma_start3A_213 = arith.constant 0 : i32
    %dma_start3A_214 = arith.constant 0 : i32
    %dma_start3A_215 = tpu.memref_slice %arg4[%dma_start3A_213, %dma_start3A_214] : memref<100000x128xf32, #tpu.memory_space<hbm>> -> memref<100000x128xf32, #tpu.memory_space<hbm>>
    tpu.enqueue_indirect_dma source(%dma_start3A_215 : memref<100000x128xf32, #tpu.memory_space<hbm>>) target(%dma_start3A_209 : memref<128x128xf32, #tpu.memory_space<vmem>>) offsets(%dma_start3A_212 : memref<128xi32, #tpu.memory_space<vmem>>) semaphore(%arg9 : memref<!tpu.dma_semaphore, #tpu.memory_space<semaphore_mem>>)
    %dma_wait3A_216 = arith.constant 5 : i32
    %dma_wait3A_217 = arith.constant 0 : i32
    %dma_wait3A_218 = tpu.memref_slice %arg7[%dma_wait3A_216, %dma_wait3A_217] : memref<8x128xi32, #tpu.memory_space<vmem>> -> memref<1x128xi32, #tpu.memory_space<vmem>>
    %dma_wait3A_219 = tpu.memref_squeeze %dma_wait3A_218 : memref<1x128xi32, #tpu.memory_space<vmem>> -> memref<128xi32, #tpu.memory_space<vmem>>
    %dma_wait3A_220 = tpu.memref_slice %arg3[%add3A_58] : memref<16384xi32, #tpu.memory_space<hbm>> -> memref<128xi32, #tpu.memory_space<hbm>>
    %dma_wait3A_221 = arith.constant 0 : i32
    %dma_wait3A_222 = tpu.memref_slice %arg7[%dma_wait3A_216, %dma_wait3A_221] : memref<8x128xi32, #tpu.memory_space<vmem>> -> memref<1x128xi32, #tpu.memory_space<vmem>>
    %dma_wait3A_223 = tpu.memref_squeeze %dma_wait3A_222 : memref<1x128xi32, #tpu.memory_space<vmem>> -> memref<128xi32, #tpu.memory_space<vmem>>
    %dma_wait3A_224 = tpu.memref_slice %arg3[%add3A_58] : memref<16384xi32, #tpu.memory_space<hbm>> -> memref<128xi32, #tpu.memory_space<hbm>>
    tpu.wait_dma2 semaphore(%arg11 : memref<!tpu.dma_semaphore, #tpu.memory_space<semaphore_mem>>) src(%dma_wait3A_224 : memref<128xi32, #tpu.memory_space<hbm>>) dst(%dma_wait3A_223 : memref<128xi32, #tpu.memory_space<vmem>>)
    %dma_start3A_225 = arith.constant 5 : i32
    %dma_start3A_226 = arith.constant 640 : i32
    %dma_start3A_227 = arith.constant 0 : i32
    %dma_start3A_228 = tpu.memref_slice %arg8[%dma_start3A_226, %dma_start3A_227] : memref<768x128xf32, #tpu.memory_space<vmem>> -> memref<128x128xf32, #tpu.memory_space<vmem>>
    %dma_start3A_229 = arith.constant 0 : i32
    %dma_start3A_230 = tpu.memref_slice %arg7[%dma_start3A_225, %dma_start3A_229] : memref<8x128xi32, #tpu.memory_space<vmem>> -> memref<1x128xi32, #tpu.memory_space<vmem>>
    %dma_start3A_231 = tpu.memref_squeeze %dma_start3A_230 : memref<1x128xi32, #tpu.memory_space<vmem>> -> memref<128xi32, #tpu.memory_space<vmem>>
    %dma_start3A_232 = arith.constant 0 : i32
    %dma_start3A_233 = arith.constant 0 : i32
    %dma_start3A_234 = tpu.memref_slice %arg4[%dma_start3A_232, %dma_start3A_233] : memref<100000x128xf32, #tpu.memory_space<hbm>> -> memref<100000x128xf32, #tpu.memory_space<hbm>>
    tpu.enqueue_indirect_dma source(%dma_start3A_234 : memref<100000x128xf32, #tpu.memory_space<hbm>>) target(%dma_start3A_228 : memref<128x128xf32, #tpu.memory_space<vmem>>) offsets(%dma_start3A_231 : memref<128xi32, #tpu.memory_space<vmem>>) semaphore(%arg9 : memref<!tpu.dma_semaphore, #tpu.memory_space<semaphore_mem>>)
    %dma_wait3A_235 = arith.constant 2 : i32
    %dma_wait3A_236 = arith.constant 256 : i32
    %dma_wait3A_237 = arith.constant 0 : i32
    %dma_wait3A_238 = tpu.memref_slice %arg8[%dma_wait3A_236, %dma_wait3A_237] : memref<768x128xf32, #tpu.memory_space<vmem>> -> memref<128x128xf32, #tpu.memory_space<vmem>>
    %dma_wait3A_239 = arith.constant 0 : i32
    %dma_wait3A_240 = tpu.memref_slice %arg7[%dma_wait3A_235, %dma_wait3A_239] : memref<8x128xi32, #tpu.memory_space<vmem>> -> memref<1x128xi32, #tpu.memory_space<vmem>>
    %dma_wait3A_241 = tpu.memref_squeeze %dma_wait3A_240 : memref<1x128xi32, #tpu.memory_space<vmem>> -> memref<128xi32, #tpu.memory_space<vmem>>
    %dma_wait3A_242 = arith.constant 0 : i32
    %dma_wait3A_243 = arith.constant 0 : i32
    %dma_wait3A_244 = tpu.memref_slice %arg4[%dma_wait3A_242, %dma_wait3A_243] : memref<100000x128xf32, #tpu.memory_space<hbm>> -> memref<100000x128xf32, #tpu.memory_space<hbm>>
    tpu.wait_indirect_dma semaphore(%arg9 : memref<!tpu.dma_semaphore, #tpu.memory_space<semaphore_mem>>) src(%dma_wait3A_244 : memref<100000x128xf32, #tpu.memory_space<hbm>>) dst(%dma_wait3A_238 : memref<128x128xf32, #tpu.memory_space<vmem>>)
    %dma_wait3A_245 = arith.constant 3 : i32
    %dma_wait3A_246 = arith.constant 384 : i32
    %dma_wait3A_247 = arith.constant 0 : i32
    %dma_wait3A_248 = tpu.memref_slice %arg8[%dma_wait3A_246, %dma_wait3A_247] : memref<768x128xf32, #tpu.memory_space<vmem>> -> memref<128x128xf32, #tpu.memory_space<vmem>>
    %dma_wait3A_249 = arith.constant 0 : i32
    %dma_wait3A_250 = tpu.memref_slice %arg7[%dma_wait3A_245, %dma_wait3A_249] : memref<8x128xi32, #tpu.memory_space<vmem>> -> memref<1x128xi32, #tpu.memory_space<vmem>>
    %dma_wait3A_251 = tpu.memref_squeeze %dma_wait3A_250 : memref<1x128xi32, #tpu.memory_space<vmem>> -> memref<128xi32, #tpu.memory_space<vmem>>
    %dma_wait3A_252 = arith.constant 0 : i32
    %dma_wait3A_253 = arith.constant 0 : i32
    %dma_wait3A_254 = tpu.memref_slice %arg4[%dma_wait3A_252, %dma_wait3A_253] : memref<100000x128xf32, #tpu.memory_space<hbm>> -> memref<100000x128xf32, #tpu.memory_space<hbm>>
    tpu.wait_indirect_dma semaphore(%arg9 : memref<!tpu.dma_semaphore, #tpu.memory_space<semaphore_mem>>) src(%dma_wait3A_254 : memref<100000x128xf32, #tpu.memory_space<hbm>>) dst(%dma_wait3A_248 : memref<128x128xf32, #tpu.memory_space<vmem>>)
    %add3A_255 = arith.constant 256 : i32
    %add3A_256 = arith.addi %mul3A_2, %add3A_255 : i32
    %dma_start3A_257 = arith.constant 256 : i32
    %dma_start3A_258 = arith.constant 0 : i32
    %dma_start3A_259 = tpu.memref_slice %arg8[%dma_start3A_257, %dma_start3A_258] : memref<768x128xf32, #tpu.memory_space<vmem>> -> memref<256x128xf32, #tpu.memory_space<vmem>>
    %dma_start3A_260 = arith.constant 0 : i32
    %dma_start3A_261 = tpu.memref_slice %arg5[%add3A_256, %dma_start3A_260] : memref<16384x128xf32, #tpu.memory_space<hbm>> -> memref<256x128xf32, #tpu.memory_space<hbm>>
    %dma_start3A_262 = arith.constant 0 : i32
    %dma_start3A_263 = tpu.memref_slice %arg5[%add3A_256, %dma_start3A_262] : memref<16384x128xf32, #tpu.memory_space<hbm>> -> memref<256x128xf32, #tpu.memory_space<hbm>>
    %dma_start3A_264 = arith.constant 256 : i32
    %dma_start3A_265 = arith.constant 0 : i32
    %dma_start3A_266 = tpu.memref_slice %arg8[%dma_start3A_264, %dma_start3A_265] : memref<768x128xf32, #tpu.memory_space<vmem>> -> memref<256x128xf32, #tpu.memory_space<vmem>>
    tpu.enqueue_dma source(%dma_start3A_266 : memref<256x128xf32, #tpu.memory_space<vmem>>) target(%dma_start3A_263 : memref<256x128xf32, #tpu.memory_space<hbm>>) target_semaphore(%arg10 : memref<!tpu.dma_semaphore, #tpu.memory_space<semaphore_mem>>)
    %dma_wait3A_267 = arith.constant 0 : i32
    %dma_wait3A_268 = arith.constant 0 : i32
    %dma_wait3A_269 = tpu.memref_slice %arg8[%dma_wait3A_267, %dma_wait3A_268] : memref<768x128xf32, #tpu.memory_space<vmem>> -> memref<256x128xf32, #tpu.memory_space<vmem>>
    %dma_wait3A_270 = arith.constant 0 : i32
    %dma_wait3A_271 = tpu.memref_slice %arg5[%add3A_186, %dma_wait3A_270] : memref<16384x128xf32, #tpu.memory_space<hbm>> -> memref<256x128xf32, #tpu.memory_space<hbm>>
    %dma_wait3A_272 = arith.constant 0 : i32
    %dma_wait3A_273 = tpu.memref_slice %arg5[%add3A_186, %dma_wait3A_272] : memref<16384x128xf32, #tpu.memory_space<hbm>> -> memref<256x128xf32, #tpu.memory_space<hbm>>
    %dma_wait3A_274 = arith.constant 0 : i32
    %dma_wait3A_275 = arith.constant 0 : i32
    %dma_wait3A_276 = tpu.memref_slice %arg8[%dma_wait3A_274, %dma_wait3A_275] : memref<768x128xf32, #tpu.memory_space<vmem>> -> memref<256x128xf32, #tpu.memory_space<vmem>>
    tpu.wait_dma2 semaphore(%arg10 : memref<!tpu.dma_semaphore, #tpu.memory_space<semaphore_mem>>) src(%dma_wait3A_276 : memref<256x128xf32, #tpu.memory_space<vmem>>) dst(%dma_wait3A_273 : memref<256x128xf32, #tpu.memory_space<hbm>>)
    %dma_wait3A_277 = arith.constant 6 : i32
    %dma_wait3A_278 = arith.constant 0 : i32
    %dma_wait3A_279 = tpu.memref_slice %arg7[%dma_wait3A_277, %dma_wait3A_278] : memref<8x128xi32, #tpu.memory_space<vmem>> -> memref<1x128xi32, #tpu.memory_space<vmem>>
    %dma_wait3A_280 = tpu.memref_squeeze %dma_wait3A_279 : memref<1x128xi32, #tpu.memory_space<vmem>> -> memref<128xi32, #tpu.memory_space<vmem>>
    %dma_wait3A_281 = tpu.memref_slice %arg3[%add3A_69] : memref<16384xi32, #tpu.memory_space<hbm>> -> memref<128xi32, #tpu.memory_space<hbm>>
    %dma_wait3A_282 = arith.constant 0 : i32
    %dma_wait3A_283 = tpu.memref_slice %arg7[%dma_wait3A_277, %dma_wait3A_282] : memref<8x128xi32, #tpu.memory_space<vmem>> -> memref<1x128xi32, #tpu.memory_space<vmem>>
    %dma_wait3A_284 = tpu.memref_squeeze %dma_wait3A_283 : memref<1x128xi32, #tpu.memory_space<vmem>> -> memref<128xi32, #tpu.memory_space<vmem>>
    %dma_wait3A_285 = tpu.memref_slice %arg3[%add3A_69] : memref<16384xi32, #tpu.memory_space<hbm>> -> memref<128xi32, #tpu.memory_space<hbm>>
    tpu.wait_dma2 semaphore(%arg11 : memref<!tpu.dma_semaphore, #tpu.memory_space<semaphore_mem>>) src(%dma_wait3A_285 : memref<128xi32, #tpu.memory_space<hbm>>) dst(%dma_wait3A_284 : memref<128xi32, #tpu.memory_space<vmem>>)
    %dma_start3A_286 = arith.constant 6 : i32
    %dma_start3A_287 = arith.constant 0 : i32
    %dma_start3A_288 = arith.constant 0 : i32
    %dma_start3A_289 = tpu.memref_slice %arg8[%dma_start3A_287, %dma_start3A_288] : memref<768x128xf32, #tpu.memory_space<vmem>> -> memref<128x128xf32, #tpu.memory_space<vmem>>
    %dma_start3A_290 = arith.constant 0 : i32
    %dma_start3A_291 = tpu.memref_slice %arg7[%dma_start3A_286, %dma_start3A_290] : memref<8x128xi32, #tpu.memory_space<vmem>> -> memref<1x128xi32, #tpu.memory_space<vmem>>
    %dma_start3A_292 = tpu.memref_squeeze %dma_start3A_291 : memref<1x128xi32, #tpu.memory_space<vmem>> -> memref<128xi32, #tpu.memory_space<vmem>>
    %dma_start3A_293 = arith.constant 0 : i32
    %dma_start3A_294 = arith.constant 0 : i32
    %dma_start3A_295 = tpu.memref_slice %arg4[%dma_start3A_293, %dma_start3A_294] : memref<100000x128xf32, #tpu.memory_space<hbm>> -> memref<100000x128xf32, #tpu.memory_space<hbm>>
    tpu.enqueue_indirect_dma source(%dma_start3A_295 : memref<100000x128xf32, #tpu.memory_space<hbm>>) target(%dma_start3A_289 : memref<128x128xf32, #tpu.memory_space<vmem>>) offsets(%dma_start3A_292 : memref<128xi32, #tpu.memory_space<vmem>>) semaphore(%arg9 : memref<!tpu.dma_semaphore, #tpu.memory_space<semaphore_mem>>)
    %dma_wait3A_296 = arith.constant 7 : i32
    %dma_wait3A_297 = arith.constant 0 : i32
    %dma_wait3A_298 = tpu.memref_slice %arg7[%dma_wait3A_296, %dma_wait3A_297] : memref<8x128xi32, #tpu.memory_space<vmem>> -> memref<1x128xi32, #tpu.memory_space<vmem>>
    %dma_wait3A_299 = tpu.memref_squeeze %dma_wait3A_298 : memref<1x128xi32, #tpu.memory_space<vmem>> -> memref<128xi32, #tpu.memory_space<vmem>>
    %dma_wait3A_300 = tpu.memref_slice %arg3[%add3A_80] : memref<16384xi32, #tpu.memory_space<hbm>> -> memref<128xi32, #tpu.memory_space<hbm>>
    %dma_wait3A_301 = arith.constant 0 : i32
    %dma_wait3A_302 = tpu.memref_slice %arg7[%dma_wait3A_296, %dma_wait3A_301] : memref<8x128xi32, #tpu.memory_space<vmem>> -> memref<1x128xi32, #tpu.memory_space<vmem>>
    %dma_wait3A_303 = tpu.memref_squeeze %dma_wait3A_302 : memref<1x128xi32, #tpu.memory_space<vmem>> -> memref<128xi32, #tpu.memory_space<vmem>>
    %dma_wait3A_304 = tpu.memref_slice %arg3[%add3A_80] : memref<16384xi32, #tpu.memory_space<hbm>> -> memref<128xi32, #tpu.memory_space<hbm>>
    tpu.wait_dma2 semaphore(%arg11 : memref<!tpu.dma_semaphore, #tpu.memory_space<semaphore_mem>>) src(%dma_wait3A_304 : memref<128xi32, #tpu.memory_space<hbm>>) dst(%dma_wait3A_303 : memref<128xi32, #tpu.memory_space<vmem>>)
    %dma_start3A_305 = arith.constant 7 : i32
    %dma_start3A_306 = arith.constant 128 : i32
    %dma_start3A_307 = arith.constant 0 : i32
    %dma_start3A_308 = tpu.memref_slice %arg8[%dma_start3A_306, %dma_start3A_307] : memref<768x128xf32, #tpu.memory_space<vmem>> -> memref<128x128xf32, #tpu.memory_space<vmem>>
    %dma_start3A_309 = arith.constant 0 : i32
    %dma_start3A_310 = tpu.memref_slice %arg7[%dma_start3A_305, %dma_start3A_309] : memref<8x128xi32, #tpu.memory_space<vmem>> -> memref<1x128xi32, #tpu.memory_space<vmem>>
    %dma_start3A_311 = tpu.memref_squeeze %dma_start3A_310 : memref<1x128xi32, #tpu.memory_space<vmem>> -> memref<128xi32, #tpu.memory_space<vmem>>
    %dma_start3A_312 = arith.constant 0 : i32
    %dma_start3A_313 = arith.constant 0 : i32
    %dma_start3A_314 = tpu.memref_slice %arg4[%dma_start3A_312, %dma_start3A_313] : memref<100000x128xf32, #tpu.memory_space<hbm>> -> memref<100000x128xf32, #tpu.memory_space<hbm>>
    tpu.enqueue_indirect_dma source(%dma_start3A_314 : memref<100000x128xf32, #tpu.memory_space<hbm>>) target(%dma_start3A_308 : memref<128x128xf32, #tpu.memory_space<vmem>>) offsets(%dma_start3A_311 : memref<128xi32, #tpu.memory_space<vmem>>) semaphore(%arg9 : memref<!tpu.dma_semaphore, #tpu.memory_space<semaphore_mem>>)
    %dma_wait3A_315 = arith.constant 4 : i32
    %dma_wait3A_316 = arith.constant 512 : i32
    %dma_wait3A_317 = arith.constant 0 : i32
    %dma_wait3A_318 = tpu.memref_slice %arg8[%dma_wait3A_316, %dma_wait3A_317] : memref<768x128xf32, #tpu.memory_space<vmem>> -> memref<128x128xf32, #tpu.memory_space<vmem>>
    %dma_wait3A_319 = arith.constant 0 : i32
    %dma_wait3A_320 = tpu.memref_slice %arg7[%dma_wait3A_315, %dma_wait3A_319] : memref<8x128xi32, #tpu.memory_space<vmem>> -> memref<1x128xi32, #tpu.memory_space<vmem>>
    %dma_wait3A_321 = tpu.memref_squeeze %dma_wait3A_320 : memref<1x128xi32, #tpu.memory_space<vmem>> -> memref<128xi32, #tpu.memory_space<vmem>>
    %dma_wait3A_322 = arith.constant 0 : i32
    %dma_wait3A_323 = arith.constant 0 : i32
    %dma_wait3A_324 = tpu.memref_slice %arg4[%dma_wait3A_322, %dma_wait3A_323] : memref<100000x128xf32, #tpu.memory_space<hbm>> -> memref<100000x128xf32, #tpu.memory_space<hbm>>
    tpu.wait_indirect_dma semaphore(%arg9 : memref<!tpu.dma_semaphore, #tpu.memory_space<semaphore_mem>>) src(%dma_wait3A_324 : memref<100000x128xf32, #tpu.memory_space<hbm>>) dst(%dma_wait3A_318 : memref<128x128xf32, #tpu.memory_space<vmem>>)
    %dma_wait3A_325 = arith.constant 5 : i32
    %dma_wait3A_326 = arith.constant 640 : i32
    %dma_wait3A_327 = arith.constant 0 : i32
    %dma_wait3A_328 = tpu.memref_slice %arg8[%dma_wait3A_326, %dma_wait3A_327] : memref<768x128xf32, #tpu.memory_space<vmem>> -> memref<128x128xf32, #tpu.memory_space<vmem>>
    %dma_wait3A_329 = arith.constant 0 : i32
    %dma_wait3A_330 = tpu.memref_slice %arg7[%dma_wait3A_325, %dma_wait3A_329] : memref<8x128xi32, #tpu.memory_space<vmem>> -> memref<1x128xi32, #tpu.memory_space<vmem>>
    %dma_wait3A_331 = tpu.memref_squeeze %dma_wait3A_330 : memref<1x128xi32, #tpu.memory_space<vmem>> -> memref<128xi32, #tpu.memory_space<vmem>>
    %dma_wait3A_332 = arith.constant 0 : i32
    %dma_wait3A_333 = arith.constant 0 : i32
    %dma_wait3A_334 = tpu.memref_slice %arg4[%dma_wait3A_332, %dma_wait3A_333] : memref<100000x128xf32, #tpu.memory_space<hbm>> -> memref<100000x128xf32, #tpu.memory_space<hbm>>
    tpu.wait_indirect_dma semaphore(%arg9 : memref<!tpu.dma_semaphore, #tpu.memory_space<semaphore_mem>>) src(%dma_wait3A_334 : memref<100000x128xf32, #tpu.memory_space<hbm>>) dst(%dma_wait3A_328 : memref<128x128xf32, #tpu.memory_space<vmem>>)
    %add3A_335 = arith.constant 0 : i32
    %add3A_336 = arith.addi %mul3A_2, %add3A_335 : i32
    %dma_start3A_337 = arith.constant 512 : i32
    %dma_start3A_338 = arith.constant 0 : i32
    %dma_start3A_339 = tpu.memref_slice %arg8[%dma_start3A_337, %dma_start3A_338] : memref<768x128xf32, #tpu.memory_space<vmem>> -> memref<256x128xf32, #tpu.memory_space<vmem>>
    %dma_start3A_340 = arith.constant 0 : i32
    %dma_start3A_341 = tpu.memref_slice %arg6[%add3A_336, %dma_start3A_340] : memref<16384x128xf32, #tpu.memory_space<hbm>> -> memref<256x128xf32, #tpu.memory_space<hbm>>
    %dma_start3A_342 = arith.constant 0 : i32
    %dma_start3A_343 = tpu.memref_slice %arg6[%add3A_336, %dma_start3A_342] : memref<16384x128xf32, #tpu.memory_space<hbm>> -> memref<256x128xf32, #tpu.memory_space<hbm>>
    %dma_start3A_344 = arith.constant 512 : i32
    %dma_start3A_345 = arith.constant 0 : i32
    %dma_start3A_346 = tpu.memref_slice %arg8[%dma_start3A_344, %dma_start3A_345] : memref<768x128xf32, #tpu.memory_space<vmem>> -> memref<256x128xf32, #tpu.memory_space<vmem>>
    tpu.enqueue_dma source(%dma_start3A_346 : memref<256x128xf32, #tpu.memory_space<vmem>>) target(%dma_start3A_343 : memref<256x128xf32, #tpu.memory_space<hbm>>) target_semaphore(%arg10 : memref<!tpu.dma_semaphore, #tpu.memory_space<semaphore_mem>>)
    %dma_wait3A_347 = arith.constant 6 : i32
    %dma_wait3A_348 = arith.constant 0 : i32
    %dma_wait3A_349 = arith.constant 0 : i32
    %dma_wait3A_350 = tpu.memref_slice %arg8[%dma_wait3A_348, %dma_wait3A_349] : memref<768x128xf32, #tpu.memory_space<vmem>> -> memref<128x128xf32, #tpu.memory_space<vmem>>
    %dma_wait3A_351 = arith.constant 0 : i32
    %dma_wait3A_352 = tpu.memref_slice %arg7[%dma_wait3A_347, %dma_wait3A_351] : memref<8x128xi32, #tpu.memory_space<vmem>> -> memref<1x128xi32, #tpu.memory_space<vmem>>
    %dma_wait3A_353 = tpu.memref_squeeze %dma_wait3A_352 : memref<1x128xi32, #tpu.memory_space<vmem>> -> memref<128xi32, #tpu.memory_space<vmem>>
    %dma_wait3A_354 = arith.constant 0 : i32
    %dma_wait3A_355 = arith.constant 0 : i32
    %dma_wait3A_356 = tpu.memref_slice %arg4[%dma_wait3A_354, %dma_wait3A_355] : memref<100000x128xf32, #tpu.memory_space<hbm>> -> memref<100000x128xf32, #tpu.memory_space<hbm>>
    tpu.wait_indirect_dma semaphore(%arg9 : memref<!tpu.dma_semaphore, #tpu.memory_space<semaphore_mem>>) src(%dma_wait3A_356 : memref<100000x128xf32, #tpu.memory_space<hbm>>) dst(%dma_wait3A_350 : memref<128x128xf32, #tpu.memory_space<vmem>>)
    %dma_wait3A_357 = arith.constant 7 : i32
    %dma_wait3A_358 = arith.constant 128 : i32
    %dma_wait3A_359 = arith.constant 0 : i32
    %dma_wait3A_360 = tpu.memref_slice %arg8[%dma_wait3A_358, %dma_wait3A_359] : memref<768x128xf32, #tpu.memory_space<vmem>> -> memref<128x128xf32, #tpu.memory_space<vmem>>
    %dma_wait3A_361 = arith.constant 0 : i32
    %dma_wait3A_362 = tpu.memref_slice %arg7[%dma_wait3A_357, %dma_wait3A_361] : memref<8x128xi32, #tpu.memory_space<vmem>> -> memref<1x128xi32, #tpu.memory_space<vmem>>
    %dma_wait3A_363 = tpu.memref_squeeze %dma_wait3A_362 : memref<1x128xi32, #tpu.memory_space<vmem>> -> memref<128xi32, #tpu.memory_space<vmem>>
    %dma_wait3A_364 = arith.constant 0 : i32
    %dma_wait3A_365 = arith.constant 0 : i32
    %dma_wait3A_366 = tpu.memref_slice %arg4[%dma_wait3A_364, %dma_wait3A_365] : memref<100000x128xf32, #tpu.memory_space<hbm>> -> memref<100000x128xf32, #tpu.memory_space<hbm>>
    tpu.wait_indirect_dma semaphore(%arg9 : memref<!tpu.dma_semaphore, #tpu.memory_space<semaphore_mem>>) src(%dma_wait3A_366 : memref<100000x128xf32, #tpu.memory_space<hbm>>) dst(%dma_wait3A_360 : memref<128x128xf32, #tpu.memory_space<vmem>>)
    %add3A_367 = arith.constant 256 : i32
    %add3A_368 = arith.addi %mul3A_2, %add3A_367 : i32
    %dma_start3A_369 = arith.constant 0 : i32
    %dma_start3A_370 = arith.constant 0 : i32
    %dma_start3A_371 = tpu.memref_slice %arg8[%dma_start3A_369, %dma_start3A_370] : memref<768x128xf32, #tpu.memory_space<vmem>> -> memref<256x128xf32, #tpu.memory_space<vmem>>
    %dma_start3A_372 = arith.constant 0 : i32
    %dma_start3A_373 = tpu.memref_slice %arg6[%add3A_368, %dma_start3A_372] : memref<16384x128xf32, #tpu.memory_space<hbm>> -> memref<256x128xf32, #tpu.memory_space<hbm>>
    %dma_start3A_374 = arith.constant 0 : i32
    %dma_start3A_375 = tpu.memref_slice %arg6[%add3A_368, %dma_start3A_374] : memref<16384x128xf32, #tpu.memory_space<hbm>> -> memref<256x128xf32, #tpu.memory_space<hbm>>
    %dma_start3A_376 = arith.constant 0 : i32
    %dma_start3A_377 = arith.constant 0 : i32
    %dma_start3A_378 = tpu.memref_slice %arg8[%dma_start3A_376, %dma_start3A_377] : memref<768x128xf32, #tpu.memory_space<vmem>> -> memref<256x128xf32, #tpu.memory_space<vmem>>
    tpu.enqueue_dma source(%dma_start3A_378 : memref<256x128xf32, #tpu.memory_space<vmem>>) target(%dma_start3A_375 : memref<256x128xf32, #tpu.memory_space<hbm>>) target_semaphore(%arg10 : memref<!tpu.dma_semaphore, #tpu.memory_space<semaphore_mem>>)
    %dma_wait3A_379 = arith.constant 256 : i32
    %dma_wait3A_380 = arith.constant 0 : i32
    %dma_wait3A_381 = tpu.memref_slice %arg8[%dma_wait3A_379, %dma_wait3A_380] : memref<768x128xf32, #tpu.memory_space<vmem>> -> memref<256x128xf32, #tpu.memory_space<vmem>>
    %dma_wait3A_382 = arith.constant 0 : i32
    %dma_wait3A_383 = tpu.memref_slice %arg5[%add3A_256, %dma_wait3A_382] : memref<16384x128xf32, #tpu.memory_space<hbm>> -> memref<256x128xf32, #tpu.memory_space<hbm>>
    %dma_wait3A_384 = arith.constant 0 : i32
    %dma_wait3A_385 = tpu.memref_slice %arg5[%add3A_256, %dma_wait3A_384] : memref<16384x128xf32, #tpu.memory_space<hbm>> -> memref<256x128xf32, #tpu.memory_space<hbm>>
    %dma_wait3A_386 = arith.constant 256 : i32
    %dma_wait3A_387 = arith.constant 0 : i32
    %dma_wait3A_388 = tpu.memref_slice %arg8[%dma_wait3A_386, %dma_wait3A_387] : memref<768x128xf32, #tpu.memory_space<vmem>> -> memref<256x128xf32, #tpu.memory_space<vmem>>
    tpu.wait_dma2 semaphore(%arg10 : memref<!tpu.dma_semaphore, #tpu.memory_space<semaphore_mem>>) src(%dma_wait3A_388 : memref<256x128xf32, #tpu.memory_space<vmem>>) dst(%dma_wait3A_385 : memref<256x128xf32, #tpu.memory_space<hbm>>)
    %dma_wait3A_389 = arith.constant 512 : i32
    %dma_wait3A_390 = arith.constant 0 : i32
    %dma_wait3A_391 = tpu.memref_slice %arg8[%dma_wait3A_389, %dma_wait3A_390] : memref<768x128xf32, #tpu.memory_space<vmem>> -> memref<256x128xf32, #tpu.memory_space<vmem>>
    %dma_wait3A_392 = arith.constant 0 : i32
    %dma_wait3A_393 = tpu.memref_slice %arg6[%add3A_336, %dma_wait3A_392] : memref<16384x128xf32, #tpu.memory_space<hbm>> -> memref<256x128xf32, #tpu.memory_space<hbm>>
    %dma_wait3A_394 = arith.constant 0 : i32
    %dma_wait3A_395 = tpu.memref_slice %arg6[%add3A_336, %dma_wait3A_394] : memref<16384x128xf32, #tpu.memory_space<hbm>> -> memref<256x128xf32, #tpu.memory_space<hbm>>
    %dma_wait3A_396 = arith.constant 512 : i32
    %dma_wait3A_397 = arith.constant 0 : i32
    %dma_wait3A_398 = tpu.memref_slice %arg8[%dma_wait3A_396, %dma_wait3A_397] : memref<768x128xf32, #tpu.memory_space<vmem>> -> memref<256x128xf32, #tpu.memory_space<vmem>>
    tpu.wait_dma2 semaphore(%arg10 : memref<!tpu.dma_semaphore, #tpu.memory_space<semaphore_mem>>) src(%dma_wait3A_398 : memref<256x128xf32, #tpu.memory_space<vmem>>) dst(%dma_wait3A_395 : memref<256x128xf32, #tpu.memory_space<hbm>>)
    %dma_wait3A_399 = arith.constant 0 : i32
    %dma_wait3A_400 = arith.constant 0 : i32
    %dma_wait3A_401 = tpu.memref_slice %arg8[%dma_wait3A_399, %dma_wait3A_400] : memref<768x128xf32, #tpu.memory_space<vmem>> -> memref<256x128xf32, #tpu.memory_space<vmem>>
    %dma_wait3A_402 = arith.constant 0 : i32
    %dma_wait3A_403 = tpu.memref_slice %arg6[%add3A_368, %dma_wait3A_402] : memref<16384x128xf32, #tpu.memory_space<hbm>> -> memref<256x128xf32, #tpu.memory_space<hbm>>
    %dma_wait3A_404 = arith.constant 0 : i32
    %dma_wait3A_405 = tpu.memref_slice %arg6[%add3A_368, %dma_wait3A_404] : memref<16384x128xf32, #tpu.memory_space<hbm>> -> memref<256x128xf32, #tpu.memory_space<hbm>>
    %dma_wait3A_406 = arith.constant 0 : i32
    %dma_wait3A_407 = arith.constant 0 : i32
    %dma_wait3A_408 = tpu.memref_slice %arg8[%dma_wait3A_406, %dma_wait3A_407] : memref<768x128xf32, #tpu.memory_space<vmem>> -> memref<256x128xf32, #tpu.memory_space<vmem>>
    tpu.wait_dma2 semaphore(%arg10 : memref<!tpu.dma_semaphore, #tpu.memory_space<semaphore_mem>>) src(%dma_wait3A_408 : memref<256x128xf32, #tpu.memory_space<vmem>>) dst(%dma_wait3A_405 : memref<256x128xf32, #tpu.memory_space<hbm>>)
    return
  }
}

module attributes {stable_mosaic.version = 14 : i64} {
  func.func @_rel_body(%arg0: i32, %arg1: memref<1x1x2048xi32, #tpu.memory_space<vmem>>, %arg2: memref<512x256xf32, #tpu.memory_space<vmem>>, %arg3: memref<2048x128xf32, #tpu.memory_space<vmem>>) attributes {dimension_semantics = [#tpu.dimension_semantics<arbitrary>], iteration_bounds = array<i64: 8>, scalar_prefetch = 0 : i64, scratch_operands = 0 : i64, tpu.core_type = #tpu.core_type<tc>, window_params = [{transform_indices = @transform_0, window_bounds = array<i64: 1, 1, 2048>}, {pipeline_mode = #tpu.pipeline_mode<synchronous>, transform_indices = @transform_1, window_bounds = array<i64: 512, 256>}, {transform_indices = @transform_2, window_bounds = array<i64: 2048, 128>}]} {
    %get3A = arith.constant 0 : index
    %get3A_0 = arith.constant 0 : index
    %get3A_1 = arith.constant 0 : index
    %get3A_2 = vector.load %arg1[%get3A, %get3A_0, %get3A_1] : memref<1x1x2048xi32, #tpu.memory_space<vmem>>, vector<1x1x2048xi32>
    %get3A_3 = vector.shape_cast %get3A_2 : vector<1x1x2048xi32> to vector<1x2048xi32>
    %transpose3A = tpu.transpose %get3A_3, [1, 0] : vector<1x2048xi32> -> vector<2048x1xi32>
    %iota3A = tpu.iota {dimensions = array<i32: 1>} : vector<2048x512xi32>
    %eq3A = vector.broadcast %transpose3A : vector<2048x1xi32> to vector<2048x512xi32>
    %eq3A_4 = arith.cmpi eq, %eq3A, %iota3A : vector<2048x512xi32>
    %convert_element_type3A = arith.extui %eq3A_4 : vector<2048x512xi1> to vector<2048x512xi32>
    %convert_element_type3A_5 = arith.sitofp %convert_element_type3A : vector<2048x512xi32> to vector<2048x512xf32>
    %get3A_6 = arith.constant 0 : index
    %get3A_7 = arith.constant 0 : index
    %get3A_8 = vector.load %arg2[%get3A_6, %get3A_7] : memref<512x256xf32, #tpu.memory_space<vmem>>, vector<512x256xf32>
    %dot_general3A = arith.constant dense<0.000000e+00> : vector<2048x256xf32>
    %dot_general3A_9 = tpu.matmul %convert_element_type3A_5, %get3A_8, %dot_general3A {dimension_numbers = #tpu.dot_dimension_numbers<[1], [0], [0], [1], [0, 0, 1, 1], [], []>, transpose_lhs_hint = false} : vector<2048x512xf32>, vector<512x256xf32>, vector<2048x256xf32> -> vector<2048x256xf32>
    %slice3A = vector.extract_strided_slice %dot_general3A_9 {offsets = [0, 0], sizes = [2048, 128], strides = [1, 1]} : vector<2048x256xf32> to vector<2048x128xf32>
    %slice3A_10 = vector.extract_strided_slice %dot_general3A_9 {offsets = [0, 128], sizes = [2048, 128], strides = [1, 1]} : vector<2048x256xf32> to vector<2048x128xf32>
    %add3A = arith.addf %slice3A, %slice3A_10 : vector<2048x128xf32>
    %swap3A = arith.constant 0 : index
    %swap3A_11 = arith.constant 0 : index
    %swap3A_12 = vector.load %arg3[%swap3A, %swap3A_11] : memref<2048x128xf32, #tpu.memory_space<vmem>>, vector<2048x128xf32>
    tpu.vector_store %arg3[%swap3A, %swap3A_11], %add3A {strides = array<i32>} : memref<2048x128xf32, #tpu.memory_space<vmem>>, vector<2048x128xf32>,
    return
  }
  func.func @transform_0(%arg0: i32) -> (i32, i32, i32) {
    %c0_i32 = arith.constant 0 : i32
    %c0_i32_0 = arith.constant 0 : i32
    %c0_i32_1 = arith.constant 0 : i32
    return %arg0, %c0_i32, %c0_i32_0 : i32, i32, i32
  }
  func.func @transform_1(%arg0: i32) -> (i32, i32) {
    %c0_i32 = arith.constant 0 : i32
    %c0_i32_0 = arith.constant 0 : i32
    %c0_i32_1 = arith.constant 0 : i32
    return %c0_i32, %c0_i32_0 : i32, i32
  }
  func.func @transform_2(%arg0: i32) -> (i32, i32) {
    %c0_i32 = arith.constant 0 : i32
    %c0_i32_0 = arith.constant 0 : i32
    return %arg0, %c0_i32 : i32, i32
  }
}

</mosaic_0001>

<sc_bundles>
// kernel: kernel.4.cloned.1.call-start
scs
__scs_entry_jumppad:
0x0: {  	(pc) =	sbr.rel $0x88, $3  }
0x1: {  	(tag) =	ssettag $0x0;
	lr =	simm.s32 $0x1  }
0x2: {  	[smem:$0x3F9C] =	sst lr;
	_ =	strace $0xD0000000  }
0x3: {  	_ = 	snop  }
0x4: {  	_ = 	snop  }
0x5: {  	_ = 	snop  }
0x6: {  	_ = 	snop  }
0x7: {  	_ = 	snop  }
__scs_overlays_trampoline_lowered:
0x8: {  	[smem:$0x3FAB] =	sst s0  }
0x9: {  	[smem:$0x3FAC] =	sst s1  }
0xa: {  	[smem:$0x3FAD] =	sst s2  }
0xb: {  	[smem:$0x3FAE] =	sst s3  }
0xc: {  	[smem:$0x3FAF] =	sst s4  }
0xd: {  	[smem:$0x3FB0] =	sst s5  }
0xe: {  	[smem:$0x3FB1] =	sst s6  }
0xf: {  	[smem:$0x3FB2] =	sst s7  }
0x10: {  	[smem:$0x3FB3] =	sst s8  }
0x11: {  	[smem:$0x3FB4] =	sst s9;
	s0 =	simm.s32 @!p0 $0x0  }
0x12: {  	s1 =	sld [smem:$0x3F9A];
	s0 =	simm.s32 @p0 $0x1  }
0x13: {  	[smem:$0x3FB5] =	sst s0;
	s0 =	simm.s32 @!p1 $0x0  }
0x14: {  	s2 =	sld [smem:$0x3F99];
	s0 =	simm.s32 @p1 $0x1  }
0x15: {  	[smem:$0x3FB6] =	sst s0;
	s0 =	simm.s32 @!p2 $0x0  }
0x16: {  	s3 =	sld [smem:$0x3FDB];
	s0 =	simm.s32 @p2 $0x1  }
0x17: {  	s4 =	simm.s32 $0x1BF5;
	[smem:$0x3FB8] =	sst s0  }
0x18: {  	s0 =	sld [smem:$0x3F9B];
	_ =	swait.ge [sflag:s4], $0x0  }
0x19: {  	s7 =	sld [smem:$0x3F9C]  }
0x1a: {  	s8 =	sadd.s32 $0xFFFFE003, lr  }
0x1b: {  	s9 =	sadd.s32 $0xFFFFFEF7, lr;
	s5 =	simm.s32 $0xFFFFFFFF;
	p2 =	slt.u32 s8, $0xFFFFF086  }
0x1c: {  	p1 =	slt.u32 s9, $0xF7A;
	s5 =	simm.s32 @!p2 $0x0  }
0x1d: {  	s5 =	simm.s32 @p1 $0x1;
	p0 =	seq.s32 s7, s2  }
0x1e: {  	s7 =	smul.u32 @!p0 $0xF7A, s2;
	p2 =	seq.s32 @!p0 s5, $0x0  }
0x1f: {  	s9 =	smul.u32 $0xF7A, s1;
	s8 =	simm.s32 @!p0 $0x1BF5;
	p2 =	por !p2, p0  }
0x20: {  	[sflag:s8] =	ssyncset.s32 @!p0 $0xFFFFF086;
	s6 =	sadd.s32 @!p0 s3, s7;
	s7 =	simm.s32 @!p0 $0x108  }
0x21: {  	s3 =	sadd.s32 s3, s9;
	s6 =	sadd.s32 @!p0 $0x88, s6;
	s7 =	simm.s32 @p2 $0x1082  }
0x22: {  	[simem:s7], [sflag:s8] =	dma.local @!p0 [hbm:s6], $0xF7A  }
0x23: {  	s9 =	sor.u32 $0xD0000000, s2;
	s6 =	simm.s32 $0x108;
	_ =	swait.ge @!p0 [sflag:s8], $0x0  }
0x24: {  	s3 =	sadd.s32 $0x88, s3;
	s6 =	simm.s32 @!p1 $0x1082;
	[sflag:s4] =	ssyncset.s32 $0xFFFFF086  }
0x25: {  	[simem:s6], [sflag:s4] =	dma.local [hbm:s3], $0xF7A  }
0x26: {  	[smem:$0x3F9C] =	sst s1;
	(tag) =	ssettag s2;
	_ =	strace s9  }
0x27: {  	s1 =	sld [smem:$0x3FAC]  }
0x28: {  	s2 =	sld [smem:$0x3FAD]  }
0x29: {  	s4 =	sld [smem:$0x3FAF]  }
0x2a: {  	p0 =	seq.s32 s5, $0x0;
	s5 =	sld [smem:$0x3FB0]  }
0x2b: {  	s6 =	sld [smem:$0x3FB1]  }
0x2c: {  	s7 =	sld [smem:$0x3FB2]  }
0x2d: {  	s3 =	simm.s32 $0x108;
	s8 =	sld [smem:$0x3FB3]  }
0x2e: {  	s3 =	simm.s32 @!p0 $0x1082;
	s9 =	sld [smem:$0x3FB4]  }
0x2f: {  	lr =	sadd.s32 s0, s3;
	s0 =	sld [smem:$0x3FAB]  }
0x30: {  	s3 =	sld [smem:$0x3FAE]  }
0x31: {  	[smem:$0x3FB7] =	sst s10  }
0x32: {  	s10 =	sld [smem:$0x3FB5];
	_ =	sdelay $0x3  }
0x33: {  	p0 =	seq.s32 s10, $0x1;
	s10 =	sld [smem:$0x3FB7];
	_ =	sdelay $0x3  }
0x34: {  	[smem:$0x3FB7] =	sst s10  }
0x35: {  	s10 =	sld [smem:$0x3FB6];
	_ =	sdelay $0x3  }
0x36: {  	p1 =	seq.s32 s10, $0x1;
	s10 =	sld [smem:$0x3FB7];
	_ =	sdelay $0x3  }
0x37: {  	[smem:$0x3FB7] =	sst s10  }
0x38: {  	s10 =	sld [smem:$0x3FB8]  }
0x39: {  	_ = 	snop;
	(pc) =	sbr.ind lr, $3  }
0x3a: {  	_ = 	snop  }
0x3b: {  	_ = 	snop  }
0x3c: {  	p2 =	seq.s32 s10, $0x1;
	s10 =	sld [smem:$0x3FB7]  }
0x3d: {  	_ =	shalt  }
0x3e: {  	_ =	shalt  }
0x3f: {  	_ =	shalt  }
0x40: {  	_ =	shalt  }
0x41: {  	_ =	shalt  }
0x42: {  	_ =	shalt  }
0x43: {  	_ =	shalt  }
0x44: {  	_ =	shalt  }
0x45: {  	_ =	shalt  }
0x46: {  	_ =	shalt  }
0x47: {  	_ =	shalt  }
0x48: {  	_ =	shalt  }
0x49: {  	_ =	shalt  }
0x4a: {  	_ =	shalt  }
0x4b: {  	_ =	shalt  }
0x4c: {  	_ =	shalt  }
0x4d: {  	_ =	shalt  }
0x4e: {  	_ =	shalt  }
0x4f: {  	_ =	shalt  }
0x50: {  	_ =	shalt  }
0x51: {  	_ =	shalt  }
0x52: {  	_ =	shalt  }
0x53: {  	_ =	shalt  }
0x54: {  	_ =	shalt  }
0x55: {  	_ =	shalt  }
0x56: {  	_ =	shalt  }
0x57: {  	_ =	shalt  }
0x58: {  	_ =	shalt  }
0x59: {  	_ =	shalt  }
0x5a: {  	_ =	shalt  }
0x5b: {  	_ =	shalt  }
0x5c: {  	_ =	shalt  }
0x5d: {  	_ =	shalt  }
0x5e: {  	_ =	shalt  }
0x5f: {  	_ =	shalt  }
0x60: {  	_ =	shalt  }
0x61: {  	_ =	shalt  }
0x62: {  	_ =	shalt  }
0x63: {  	_ =	shalt  }
0x64: {  	_ =	shalt  }
0x65: {  	_ =	shalt  }
0x66: {  	_ =	shalt  }
0x67: {  	_ =	shalt  }
0x68: {  	_ =	shalt  }
0x69: {  	_ =	shalt  }
0x6a: {  	_ =	shalt  }
0x6b: {  	_ =	shalt  }
0x6c: {  	_ =	shalt  }
0x6d: {  	_ =	shalt  }
0x6e: {  	_ =	shalt  }
0x6f: {  	_ =	shalt  }
0x70: {  	_ =	shalt  }
0x71: {  	_ =	shalt  }
0x72: {  	_ =	shalt  }
0x73: {  	_ =	shalt  }
0x74: {  	_ =	shalt  }
0x75: {  	_ =	shalt  }
0x76: {  	_ =	shalt  }
0x77: {  	_ =	shalt  }
0x78: {  	_ =	shalt  }
0x79: {  	_ =	shalt  }
0x7a: {  	_ =	shalt  }
0x7b: {  	_ =	shalt  }
0x7c: {  	_ =	shalt  }
0x7d: {  	_ =	shalt  }
0x7e: {  	_ =	shalt  }
0x7f: {  	_ =	shalt  }
0x80: {  	_ =	shalt  }
0x81: {  	_ =	shalt  }
0x82: {  	_ =	shalt  }
0x83: {  	_ =	shalt  }
0x84: {  	_ =	shalt  }
0x85: {  	_ =	shalt  }
0x86: {  	_ =	shalt  }
0x87: {  	_ =	shalt  }
.Lfunc_end0:
.L_simem_size_0:
called_computation_lowered:
.L_overlay_start_0:
0x88: {  	s2 =	sld [smem:$0x3FD9]  }
0x89: {  	s3 =	sld [smem:$0x3FFE];
	_ =	sdelay $0x1  }
0x8a: {  	s1 =	srdreg.scid  }
0x8b: {  	s0 =	sand.u32 $0x1, s1  }
0x8c: {  	s15 =	sshll.u32 s0, $0xA;
	s2 =	sadd.s32 s3, s2  }
0x8d: {  	s2 =	sadd.s32 s2, s15  }
0x8e: {  	[smem:$0x3FC3] =	sst s2  }
0x8f: {  	_ = 	snop  }
0x90: {  	s2 =	sld [smem:$0x3FD0]  }
0x91: {  	s16 =	sld [smem:$0x3FC9]  }
0x92: {  	s4 =	sld [smem:$0x3FC7]  }
0x93: {  	s6 =	simm.s32 $0xA;
	s7 =	simm.s32 $0x10;
	s5 =	sld [smem:$0x3FC6]  }
0x94: {  	[smem:s7], [sflag:s6] =	dma.local [hbm:s2], $0x1  }
0x95: {  	_ =	swait.eq [sflag:s6], $0x1  }
0x96: {  	[sflag:s6] =	ssyncset.done $0x0  }
0x97: {  	s17 =	sld [smem:$0x10];
	[sflag:s6] =	ssyncadd.s32 $0xFFFFFFFF  }
0x98: {  	s18 =	sld [smem:$0x12];
	(tm) =	ssettm $0x1  }
0x99: {  	s19 =	sld [smem:$0x3FFB];
	_ =	sdelay $0x3  }
0x9a: {  	_ =	strace s19  }
0x9b: {  	s7 =	sld [smem:$0x3FFC];
	_ =	sdelay $0x3  }
0x9c: {  	_ =	strace s7  }
0x9d: {  	s7 =	sld [smem:$0x3FFD];
	_ =	sdelay $0x3  }
0x9e: {  	_ =	strace s7  }
0x9f: {  	_ =	strace $0x8FFFFFFF  }
0xa0: {  	s20 =	sld [smem:$0x3FDB];
	_ =	sdelay $0x1  }
0xa1: {  	s8 =	simm.s32 $_scs_section_size  }
0xa2: {  	s9 =	simm.s32 $_size__tile_overlayer_lowered;
	s10 =	simm.s32 $_tile_overlayer_lowered  }
0xa3: {  	s23 =	simm.s32 $0x1BFF;
	s22 =	sshll.u32 s10, $0x1;
	s7 =	sadd.s32 s8, s20  }
0xa4: {  	s11 =	simm.s32 $0x0;
	s21 =	sshll.u32 s9, $0x1;
	s9 =	sadd.s32 s22, s7  }
0xa5: {  	[timem:s11], [sflag:s23] =	dma.local [hbm:s9], s21  }
0xa6: {  	_ =	swait.ge [sflag:s23], s21  }
0xa7: {  	s8 =	ssub.s32 $0x0, s21;
	[sflag:s23] =	ssyncset.done $0x0  }
0xa8: {  	[sflag:s23] =	ssyncadd.s32 s8;
	_ =	sdelay $0x1  }
0xa9: {  	s24 =	simm.s32 $0x1B8B  }
0xaa: {  	_ =	swait.ge [sflag:s24], $0x1  }
0xab: {  	[sflag:s24] =	ssyncset.done $0x0  }
0xac: {  	s25 =	simm.s32 $0x1B8E;
	[sflag:s24] =	ssyncadd.s32 $0xFFFFFFFF  }
0xad: {  	s26 =	simm.s32 $execute0_lowered;
	[smem:$0x3FD2] =	sst s25  }
0xae: {  	s8 =	sshll.u32 s26, $0x1;
	_ =	strace $0x80000046;
	[dreg:$0x1] =	wrdreg $0xFFFFFFFF  }
0xaf: {  	s28 =	simm.s32 $_size_execute0_lowered;
	s7 =	sadd.s32 s7, s8;
	[dreg:$0x0] =	wrdreg $0x0  }
0xb0: {  	s8 =	sshll.u32 s28, $0x1;
	[dreg:$0x2] =	wrdreg s7  }
0xb1: {  	[dreg:$0x3] =	wrdreg s8  }
0xb2: {  	[dreg:$0x4] =	wrdreg $0xC0  }
0xb3: {  	_ =	task [dreg:s11], $0x5FFFF  }
0xb4: {  	[dreg:$0x1] =	wrdreg $0xFFFFFFFF  }
0xb5: {  	[dreg:$0x0] =	wrdreg $0x60  }
0xb6: {  	[dreg:$0x2] =	wrdreg s16  }
0xb7: {  	[dreg:$0x3] =	wrdreg s4  }
0xb8: {  	[dreg:$0x4] =	wrdreg s5  }
0xb9: {  	[dreg:$0x5] =	wrdreg s17  }
0xba: {  	[dreg:$0x6] =	wrdreg s18  }
0xbb: {  	[dreg:$0x7] =	wrdreg $0x9  }
0xbc: {  	_ =	task.clear_ibuf [dreg:s11], $0x8FFFF;
	_ =	strace $0x90000046  }
0xbd: {  	s29 =	simm.s32 $0x9;
	_ =	strace $0x80000048  }
0xbe: {  	_ =	swait.ge [sflag:s29], $0x1  }
0xbf: {  	[sflag:s29] =	ssyncadd.s32 $0xFFFFFFFF  }
0xc0: {  	_ =	strace $0x90000048  }
0xc1: {  	_ =	sfence  }
0xc2: {  	s30 =	sld [smem:$0x0];
	_ =	sdelay $0x2  }
0xc3: {  	s31 =	sshll.u32 s1, $0xD;
	s1 =	sshrl.u32 s1, $0x2  }
0xc4: {  	s3 =	sand.u32 $0x4000, s31;
	s1 =	sadd.s32 s1, s30  }
0xc5: {  	s0 =	sor.u32 s3, s0;
	s1 =	sshll.u32 s1, $0x11  }
0xc6: {  	s0 =	sor.u32 s1, s0  }
0xc7: {  	s0 =	sadd.s32 $0x8F2B, s0  }
0xc8: {  	[sflag:s0] =	ssyncadd.remote.s32 $0x1  }
0xc9: {  	_ =	sfence.sel $0xFFFF  }
0xca: {  	[dreg:$0x0] =	wrdreg $0xFFFFFFFF;
	(pc) =	sbr.abs _section_cstart, $3  }
0xcb: {  	[dreg:$0x1] =	wrdreg $0xFFFFFFFF  }
0xcc: {  	_ =	task.clear_ibuf [dreg:s11], $0x2FFFF;
	_ =	strace $0x9FFFFFFF  }
0xcd: {  	(tm) =	ssettm $0x7FFFFFFF  }
tec
execute0_lowered:
.L_overlay_start_1:
0x0: {  	(tag) =	ssettag $0x1  }
0x1: {  	s8 =	rddreg [dreg:$0x0];
	s1 =	srdreg.scid  }
0x2: {  	s16 =	rddreg [dreg:$0x1];
	s0 =	stileid.u32;
	s1 =	sand.u32 $0x1, s1  }
0x3: {  	s2 =	rddreg [dreg:$0x2];
	s4 =	sshll.u32 s0, $0xA;
	s5 =	sshll.u32 s1, $0x9  }
0x4: {  	s28 =	rddreg [dreg:$0x3];
	s24 =	sor.u32 s5, s4  }
0x5: {  	s31 =	rddreg [dreg:$0x4];
	s3 =	simm.s32 $0x0;
	s10 =	sshrl.u32 s24, $0x3  }
0x6: {  	[smem:$0x7FF] =	sst s3;
	s26 =	sadd.s32 s8, s10  }
0x7: {  	_ =	strace $0x80000047;
	[dreg:$0x6] =	wrdreg s26  }
0x8: {  	s29 =	sor.u32 $0x100, s24;
	s12 =	sor.u32 $0x10, s10;
	s4 =	rddreg [dreg:$0x6]  }
0x9: {  	[tilespmem:s3], [sflag:$0x3] =	stream.linear.gather [hbm4b:s4+s3], $0x80, $0x38;
	[tilespmem:$0x18400] =	vst v63  }
0xa: {  	s5 =	simm.s32 $0x80;
	s14 =	sshrl.u32 s29, $0x3;
	s4 =	sadd.s32 s8, s12  }
0xb: {  	[tilespmem:s5], [sflag:$0x3] =	stream.linear.gather [hbm4b:s4+s3], $0x80, $0x38;
	[tilespmem:$0x18400] =	vst v63  }
0xc: {  	s7 =	simm.s32 $0x100;
	s17 =	sor.u32 $0x30, s10;
	s6 =	sadd.s32 s8, s14  }
0xd: {  	[tilespmem:s7], [sflag:$0x3] =	stream.linear.gather [hbm4b:s6+s3], $0x80, $0x38;
	[tilespmem:$0x18400] =	vst v63  }
0xe: {  	s9 =	simm.s32 $0x180;
	s8 =	sadd.s32 s8, s17  }
0xf: {  	[tilespmem:s9], [sflag:$0x3] =	stream.linear.gather [hbm4b:s8+s3], $0x80, $0x38;
	[tilespmem:$0x18400] =	vst v63  }
0x10: {  	s11 =	simm.s32 $0x200;
	s10 =	sadd.s32 s16, s10  }
0x11: {  	[tilespmem:s11], [sflag:$0x3] =	stream.linear.gather [hbm4b:s10+s3], $0x80, $0x38;
	[tilespmem:$0x18400] =	vst v63  }
0x12: {  	s13 =	simm.s32 $0x280;
	s12 =	sadd.s32 s16, s12  }
0x13: {  	[tilespmem:s13], [sflag:$0x3] =	stream.linear.gather [hbm4b:s12+s3], $0x80, $0x38;
	[tilespmem:$0x18400] =	vst v63  }
0x14: {  	s15 =	simm.s32 $0x300;
	s14 =	sadd.s32 s16, s14  }
0x15: {  	[tilespmem:s15], [sflag:$0x3] =	stream.linear.gather [hbm4b:s14+s3], $0x80, $0x38;
	[tilespmem:$0x18400] =	vst v63  }
0x16: {  	s18 =	simm.s32 $0x3;
	s16 =	sadd.s32 s16, s17;
	s17 =	simm.s32 $0x380  }
0x17: {  	[tilespmem:s17], [sflag:$0x3] =	stream.linear.gather [hbm4b:s16+s3], $0x80, $0x38;
	[tilespmem:$0x18400] =	vst v63  }
0x18: {  	_ =	swait.ge [sflag:s18], $0x80  }
0x19: {  	[sflag:s18] =	ssyncset.done $0x0  }
0x1a: {  	s19 =	simm.s32 $0x400;
	[sflag:s18] =	ssyncadd.s32 $0xFFFFFF80  }
0x1b: {  	[tilespmem:s19], [sflag:$0x1] =	stream.indirect.gather [hbm4b:s2+s5], $0x80, s3, s5, $0xb8;
	[tilespmem:$0x18400] =	vst v63  }
0x1c: {  	_ =	swait.ge [sflag:s18], $0x80  }
0x1d: {  	[sflag:s18] =	ssyncset.done $0x0  }
0x1e: {  	s20 =	simm.s32 $0x4400;
	[sflag:s18] =	ssyncadd.s32 $0xFFFFFF80  }
0x1f: {  	[tilespmem:s20], [sflag:$0x1] =	stream.indirect.gather [hbm4b:s2+s5], $0x80, s5, s5, $0xb8;
	[tilespmem:$0x18400] =	vst v63  }
0x20: {  	_ =	swait.ge [sflag:s18], $0x80  }
0x21: {  	[sflag:s18] =	ssyncset.done $0x0  }
0x22: {  	s21 =	simm.s32 $0x8400;
	[sflag:s18] =	ssyncadd.s32 $0xFFFFFF80  }
0x23: {  	[tilespmem:s21], [sflag:$0x1] =	stream.indirect.gather [hbm4b:s2+s5], $0x80, s7, s5, $0xb8;
	[tilespmem:$0x18400] =	vst v63  }
0x24: {  	_ =	swait.ge [sflag:s18], $0x80  }
0x25: {  	[sflag:s18] =	ssyncset.done $0x0  }
0x26: {  	s22 =	simm.s32 $0xC400;
	s23 =	simm.s32 $0x1;
	[sflag:s18] =	ssyncadd.s32 $0xFFFFFF80  }
0x27: {  	[tilespmem:s22], [sflag:$0x1] =	stream.indirect.gather [hbm4b:s2+s5], $0x80, s9, s5, $0xb8;
	[tilespmem:$0x18400] =	vst v63  }
0x28: {  	_ =	swait.ge [sflag:s23], $0x4000  }
0x29: {  	[sflag:s23] =	ssyncset.done $0x0  }
0x2a: {  	[sflag:s23] =	ssyncadd.s32 $0xFFFFC000  }
0x2b: {  	_ =	swait.ge [sflag:s23], $0x4000  }
0x2c: {  	s30 =	sshll.u32 s24, $0x4;
	[sflag:s23] =	ssyncset.done $0x0  }
0x2d: {  	s24 =	sadd.s32 s28, s30;
	[sflag:s23] =	ssyncadd.s32 $0xFFFFC000  }
0x2e: {  	[hbm4b:s24+s3] =	stream.linear.scatter [tilespmem:s19], [sflag:$0x2], $0x8000, $0x38;
	[tilespmem:$0x18400] =	vst v63  }
0x2f: {  	_ =	swait.ge [sflag:s18], $0x80  }
0x30: {  	[sflag:s18] =	ssyncset.done $0x0  }
0x31: {  	s25 =	simm.s32 $0x10400;
	[sflag:s18] =	ssyncadd.s32 $0xFFFFFF80  }
0x32: {  	[tilespmem:s25], [sflag:$0x1] =	stream.indirect.gather [hbm4b:s2+s5], $0x80, s11, s5, $0xb8;
	[tilespmem:$0x18400] =	vst v63  }
0x33: {  	_ =	swait.ge [sflag:s18], $0x80  }
0x34: {  	[sflag:s18] =	ssyncset.done $0x0  }
0x35: {  	s26 =	simm.s32 $0x14400;
	[sflag:s18] =	ssyncadd.s32 $0xFFFFFF80  }
0x36: {  	[tilespmem:s26], [sflag:$0x1] =	stream.indirect.gather [hbm4b:s2+s5], $0x80, s13, s5, $0xb8;
	[tilespmem:$0x18400] =	vst v63  }
0x37: {  	_ =	swait.ge [sflag:s23], $0x4000  }
0x38: {  	[sflag:s23] =	ssyncset.done $0x0  }
0x39: {  	[sflag:s23] =	ssyncadd.s32 $0xFFFFC000  }
0x3a: {  	_ =	swait.ge [sflag:s23], $0x4000  }
0x3b: {  	s0 =	sshll.u32 s29, $0x4;
	[sflag:s23] =	ssyncset.done $0x0  }
0x3c: {  	s29 =	simm.s32 $0x2;
	s28 =	sadd.s32 s28, s0;
	[sflag:s23] =	ssyncadd.s32 $0xFFFFC000  }
0x3d: {  	[hbm4b:s28+s3] =	stream.linear.scatter [tilespmem:s21], [sflag:$0x2], $0x8000, $0x38;
	[tilespmem:$0x18400] =	vst v63  }
0x3e: {  	_ =	swait.ge [sflag:s29], $0x8000  }
0x3f: {  	[sflag:s29] =	ssyncset.done $0x0  }
0x40: {  	[sflag:s29] =	ssyncadd.s32 $0xFFFF8000  }
0x41: {  	_ =	swait.ge [sflag:s18], $0x80  }
0x42: {  	[sflag:s18] =	ssyncset.done $0x0  }
0x43: {  	[sflag:s18] =	ssyncadd.s32 $0xFFFFFF80  }
0x44: {  	[tilespmem:s19], [sflag:$0x1] =	stream.indirect.gather [hbm4b:s2+s5], $0x80, s15, s5, $0xb8;
	[tilespmem:$0x18400] =	vst v63  }
0x45: {  	_ =	swait.ge [sflag:s18], $0x80  }
0x46: {  	[sflag:s18] =	ssyncset.done $0x0  }
0x47: {  	[sflag:s18] =	ssyncadd.s32 $0xFFFFFF80  }
0x48: {  	[tilespmem:s20], [sflag:$0x1] =	stream.indirect.gather [hbm4b:s2+s5], $0x80, s17, s5, $0xb8;
	[tilespmem:$0x18400] =	vst v63  }
0x49: {  	_ =	swait.ge [sflag:s23], $0x4000  }
0x4a: {  	[sflag:s23] =	ssyncset.done $0x0  }
0x4b: {  	[sflag:s23] =	ssyncadd.s32 $0xFFFFC000  }
0x4c: {  	_ =	swait.ge [sflag:s23], $0x4000  }
0x4d: {  	[sflag:s23] =	ssyncset.done $0x0  }
0x4e: {  	s30 =	sadd.s32 s31, s30;
	[sflag:s23] =	ssyncadd.s32 $0xFFFFC000  }
0x4f: {  	[hbm4b:s30+s3] =	stream.linear.scatter [tilespmem:s25], [sflag:$0x2], $0x8000, $0x38;
	[tilespmem:$0x18400] =	vst v63  }
0x50: {  	_ =	swait.ge [sflag:s23], $0x4000  }
0x51: {  	[sflag:s23] =	ssyncset.done $0x0  }
0x52: {  	[sflag:s23] =	ssyncadd.s32 $0xFFFFC000  }
0x53: {  	s31 =	sadd.s32 s31, s0;
	s0 =	ssub.s32 $0x2, s1;
	_ =	swait.ge [sflag:s23], $0x4000  }
0x54: {  	s1 =	sshrl.u32 s0, $0x1;
	[sflag:s23] =	ssyncset.done $0x0  }
0x55: {  	s0 =	ssub.s32 s0, s1;
	[sflag:s23] =	ssyncadd.s32 $0xFFFFC000  }
0x56: {  	[hbm4b:s31+s3] =	stream.linear.scatter [tilespmem:s19], [sflag:$0x2], $0x8000, $0x38;
	[tilespmem:$0x18400] =	vst v63  }
0x57: {  	s0 =	smax.u32 s0, $0x1;
	_ =	swait.ge [sflag:s29], $0x8000  }
0x58: {  	p0 =	sne.s32 s0, $0x1;
	[sflag:s29] =	ssyncset.done $0x0  }
.Ltmp0:
0x59: {  	[sflag:s29] =	ssyncadd.s32 $0xFFFF8000;
	(pc) =	sbr.rel @!p0 .LBB2_2-.Ltmp0, $4  }
0x5a: {  	_ =	swait.ge [sflag:s29], $0x8000  }
0x5b: {  	[sflag:s29] =	ssyncset.done $0x0  }
0x5c: {  	[sflag:s29] =	ssyncadd.s32 $0xFFFF8000  }
0x5d: {  	s1 =	sadd.s32 $0xFFFFFFFF, s0;
	_ =	swait.ge [sflag:s29], $0x8000  }
.LBB2_1:
0x5e: {  	[sflag:s29] =	ssyncset.done $0x0  }
0x5f: {  	s0 =	rddreg [dreg:$0x6];
	[sflag:s29] =	ssyncadd.s32 $0xFFFF8000  }
0x60: {  	[tilespmem:s3], [sflag:$0x3] =	stream.linear.gather [hbm4b:s0+s3], $0x80, $0x38;
	[tilespmem:$0x18400] =	vst v63  }
0x61: {  	_ = 	snop  }
0x62: {  	[tilespmem:s5], [sflag:$0x3] =	stream.linear.gather [hbm4b:s4+s3], $0x80, $0x38;
	[tilespmem:$0x18400] =	vst v63  }
0x63: {  	_ = 	snop  }
0x64: {  	[tilespmem:s7], [sflag:$0x3] =	stream.linear.gather [hbm4b:s6+s3], $0x80, $0x38;
	[tilespmem:$0x18400] =	vst v63  }
0x65: {  	_ = 	snop  }
0x66: {  	[tilespmem:s9], [sflag:$0x3] =	stream.linear.gather [hbm4b:s8+s3], $0x80, $0x38;
	[tilespmem:$0x18400] =	vst v63  }
0x67: {  	_ = 	snop  }
0x68: {  	[tilespmem:s11], [sflag:$0x3] =	stream.linear.gather [hbm4b:s10+s3], $0x80, $0x38;
	[tilespmem:$0x18400] =	vst v63  }
0x69: {  	_ = 	snop  }
0x6a: {  	[tilespmem:s13], [sflag:$0x3] =	stream.linear.gather [hbm4b:s12+s3], $0x80, $0x38;
	[tilespmem:$0x18400] =	vst v63  }
0x6b: {  	_ = 	snop  }
0x6c: {  	[tilespmem:s15], [sflag:$0x3] =	stream.linear.gather [hbm4b:s14+s3], $0x80, $0x38;
	[tilespmem:$0x18400] =	vst v63  }
0x6d: {  	_ = 	snop  }
0x6e: {  	[tilespmem:s17], [sflag:$0x3] =	stream.linear.gather [hbm4b:s16+s3], $0x80, $0x38;
	[tilespmem:$0x18400] =	vst v63  }
0x6f: {  	_ =	swait.ge [sflag:s18], $0x80  }
0x70: {  	[sflag:s18] =	ssyncset.done $0x0  }
0x71: {  	[sflag:s18] =	ssyncadd.s32 $0xFFFFFF80  }
0x72: {  	[tilespmem:s19], [sflag:$0x1] =	stream.indirect.gather [hbm4b:s2+s5], $0x80, s3, s5, $0xb8;
	[tilespmem:$0x18400] =	vst v63  }
0x73: {  	_ =	swait.ge [sflag:s18], $0x80  }
0x74: {  	[sflag:s18] =	ssyncset.done $0x0  }
0x75: {  	[sflag:s18] =	ssyncadd.s32 $0xFFFFFF80  }
0x76: {  	[tilespmem:s20], [sflag:$0x1] =	stream.indirect.gather [hbm4b:s2+s5], $0x80, s5, s5, $0xb8;
	[tilespmem:$0x18400] =	vst v63  }
0x77: {  	_ =	swait.ge [sflag:s18], $0x80  }
0x78: {  	[sflag:s18] =	ssyncset.done $0x0  }
0x79: {  	[sflag:s18] =	ssyncadd.s32 $0xFFFFFF80  }
0x7a: {  	[tilespmem:s21], [sflag:$0x1] =	stream.indirect.gather [hbm4b:s2+s5], $0x80, s7, s5, $0xb8;
	[tilespmem:$0x18400] =	vst v63  }
0x7b: {  	_ =	swait.ge [sflag:s18], $0x80  }
0x7c: {  	[sflag:s18] =	ssyncset.done $0x0  }
0x7d: {  	[sflag:s18] =	ssyncadd.s32 $0xFFFFFF80  }
0x7e: {  	[tilespmem:s22], [sflag:$0x1] =	stream.indirect.gather [hbm4b:s2+s5], $0x80, s9, s5, $0xb8;
	[tilespmem:$0x18400] =	vst v63  }
0x7f: {  	_ =	swait.ge [sflag:s23], $0x4000  }
0x80: {  	[sflag:s23] =	ssyncset.done $0x0  }
0x81: {  	[sflag:s23] =	ssyncadd.s32 $0xFFFFC000  }
0x82: {  	_ =	swait.ge [sflag:s23], $0x4000  }
0x83: {  	[sflag:s23] =	ssyncset.done $0x0  }
0x84: {  	[sflag:s23] =	ssyncadd.s32 $0xFFFFC000  }
0x85: {  	[hbm4b:s24+s3] =	stream.linear.scatter [tilespmem:s19], [sflag:$0x2], $0x8000, $0x38;
	[tilespmem:$0x18400] =	vst v63  }
0x86: {  	_ =	swait.ge [sflag:s18], $0x80  }
0x87: {  	[sflag:s18] =	ssyncset.done $0x0  }
0x88: {  	[sflag:s18] =	ssyncadd.s32 $0xFFFFFF80  }
0x89: {  	[tilespmem:s25], [sflag:$0x1] =	stream.indirect.gather [hbm4b:s2+s5], $0x80, s11, s5, $0xb8;
	[tilespmem:$0x18400] =	vst v63  }
0x8a: {  	_ =	swait.ge [sflag:s18], $0x80  }
0x8b: {  	[sflag:s18] =	ssyncset.done $0x0  }
0x8c: {  	[sflag:s18] =	ssyncadd.s32 $0xFFFFFF80  }
0x8d: {  	[tilespmem:s26], [sflag:$0x1] =	stream.indirect.gather [hbm4b:s2+s5], $0x80, s13, s5, $0xb8;
	[tilespmem:$0x18400] =	vst v63  }
0x8e: {  	_ =	swait.ge [sflag:s23], $0x4000  }
0x8f: {  	[sflag:s23] =	ssyncset.done $0x0  }
0x90: {  	[sflag:s23] =	ssyncadd.s32 $0xFFFFC000  }
0x91: {  	_ =	swait.ge [sflag:s23], $0x4000  }
0x92: {  	[sflag:s23] =	ssyncset.done $0x0  }
0x93: {  	[sflag:s23] =	ssyncadd.s32 $0xFFFFC000  }
0x94: {  	[hbm4b:s28+s3] =	stream.linear.scatter [tilespmem:s21], [sflag:$0x2], $0x8000, $0x38;
	[tilespmem:$0x18400] =	vst v63  }
0x95: {  	_ =	swait.ge [sflag:s29], $0x8000  }
0x96: {  	[sflag:s29] =	ssyncset.done $0x0  }
0x97: {  	[sflag:s29] =	ssyncadd.s32 $0xFFFF8000  }
0x98: {  	_ =	swait.ge [sflag:s18], $0x80  }
0x99: {  	[sflag:s18] =	ssyncset.done $0x0  }
0x9a: {  	[sflag:s18] =	ssyncadd.s32 $0xFFFFFF80  }
0x9b: {  	[tilespmem:s19], [sflag:$0x1] =	stream.indirect.gather [hbm4b:s2+s5], $0x80, s15, s5, $0xb8;
	[tilespmem:$0x18400] =	vst v63  }
0x9c: {  	_ =	swait.ge [sflag:s18], $0x80  }
0x9d: {  	[sflag:s18] =	ssyncset.done $0x0  }
0x9e: {  	[sflag:s18] =	ssyncadd.s32 $0xFFFFFF80  }
0x9f: {  	[tilespmem:s20], [sflag:$0x1] =	stream.indirect.gather [hbm4b:s2+s5], $0x80, s17, s5, $0xb8;
	[tilespmem:$0x18400] =	vst v63  }
0xa0: {  	_ =	swait.ge [sflag:s23], $0x4000  }
0xa1: {  	[sflag:s23] =	ssyncset.done $0x0  }
0xa2: {  	[sflag:s23] =	ssyncadd.s32 $0xFFFFC000  }
0xa3: {  	_ =	swait.ge [sflag:s23], $0x4000  }
0xa4: {  	[sflag:s23] =	ssyncset.done $0x0  }
0xa5: {  	[sflag:s23] =	ssyncadd.s32 $0xFFFFC000  }
0xa6: {  	[hbm4b:s30+s3] =	stream.linear.scatter [tilespmem:s25], [sflag:$0x2], $0x8000, $0x38;
	[tilespmem:$0x18400] =	vst v63  }
0xa7: {  	_ =	swait.ge [sflag:s23], $0x4000  }
0xa8: {  	[sflag:s23] =	ssyncset.done $0x0  }
0xa9: {  	[sflag:s23] =	ssyncadd.s32 $0xFFFFC000  }
0xaa: {  	_ =	swait.ge [sflag:s23], $0x4000  }
0xab: {  	[sflag:s23] =	ssyncset.done $0x0  }
0xac: {  	[sflag:s23] =	ssyncadd.s32 $0xFFFFC000  }
0xad: {  	[hbm4b:s31+s3] =	stream.linear.scatter [tilespmem:s19], [sflag:$0x2], $0x8000, $0x38;
	[tilespmem:$0x18400] =	vst v63  }
0xae: {  	_ =	swait.ge [sflag:s29], $0x8000  }
0xaf: {  	p0 =	sne.s32 s1, $0x1;
	[sflag:s29] =	ssyncset.done $0x0  }
.Ltmp1:
0xb0: {  	[sflag:s29] =	ssyncadd.s32 $0xFFFF8000;
	(pc) =	sbr.rel @p0 .LBB2_1-.Ltmp1, $4  }
0xb1: {  	_ =	swait.ge [sflag:s29], $0x8000  }
0xb2: {  	[sflag:s29] =	ssyncset.done $0x0  }
0xb3: {  	[sflag:s29] =	ssyncadd.s32 $0xFFFF8000  }
0xb4: {  	s1 =	sadd.s32 $0xFFFFFFFF, s1;
	_ =	swait.ge [sflag:s29], $0x8000  }
.LBB2_2:
0xb5: {  	[sflag:s29] =	ssyncset.done $0x0  }
0xb6: {  	[sflag:s29] =	ssyncadd.s32 $0xFFFF8000  }
0xb7: {  	_ =	sfence.sel $0x180000  }
0xb8: {  	[bflag:$0x0] =	sbarrier.arrive $0xFFFF  }
0xb9: {  	_ =	strace $0x90000047  }
0xba: {  	s0 =	stileid.u32;
	[bflag:$0x2] =	sbarrier.arrive $0xFFFF  }
0xbb: {  	p0 =	sne.s32 s0, $0x0;
	s0 =	rddreg [dreg:$0x5]  }
0xbc: {  	s0 =	sadd.s32 @!p0 $0x100000, s0  }
0xbd: {  	[sflag:s0] =	ssyncadd.tile.s32 @!p0 $0x1;
	_ =	shalt  }
.Lfunc_end2:
_tile_overlayer_lowered:
.L_overlay_start_2:
0xbe: {  	(tag) =	ssettag $0x2  }
0xbf: {  	s0 =	rddreg [dreg:$0x0];
	s2 =	stileid.u32  }
0xc0: {  	s1 =	rddreg [dreg:$0x1];
	p0 =	sne.s32 s2, $0x0  }
0xc1: {  	s3 =	rddreg [dreg:$0x2];
	[bflag:$0x3] =	sbarrier.arrive $0xFFFF;
	s2 =	simm.s32 @!p0 $0x1C04  }
0xc2: {  	[timem:s3], [sflag:s2] =	dma.local @!p0 [hbm:s0], s1  }
0xc3: {  	s0 =	simm.s32 @!p0 $0x4  }
0xc4: {  	_ =	swait.ge @!p0 [sflag:s0], s1  }
0xc5: {  	s1 =	ssub.s32 @!p0 $0x0, s1;
	[sflag:s0] =	ssyncset.done @!p0 $0x0  }
0xc6: {  	[sflag:s0] =	ssyncadd.s32 @!p0 s1  }
0xc7: {  	[bflag:$0x3] =	sbarrier.arrive $0xFFFF  }
0xc8: {  	_ =	shalt  }

</sc_bundles>
